<compile_context>
chip_gen: v7x
topology: tpu7x:2x2x1
jax: 0.10.2.dev20260603
libtpu: 0.0.44.dev20260713+nightly
codegen_flags: <defaults>
</compile_context>

<pallas_src>
import functools

import jax
import jax.numpy as jnp
from jax import lax
from jax.experimental import pallas as pl
from jax.experimental.pallas import tpu as pltpu
from jax.experimental.pallas import tpu_sc as plsc

NUM_NODES = 1000000
EMBED_DIM = 64
BATCH = 16384
HIST = 50

_B = BATCH * HIST
_LANE = 128
_CH = 512
_GPC = _CH // _LANE
_IPP = 2 * _GPC


def _make_gather(nw: int):
    b_per_w = _B // nw
    n_chunks = b_per_w // _CH
    n_pairs = n_chunks // 2
    idx_rows_per_w = b_per_w // _LANE
    mesh = plsc.VectorSubcoreMesh(core_axis_name="c", subcore_axis_name="s")

    @functools.partial(
        pl.kernel,
        out_type=jax.ShapeDtypeStruct((_B, EMBED_DIM), jnp.float32),
        mesh=mesh,
        scratch_types=[
            pltpu.VMEM((_IPP, _LANE), jnp.int32),
            pltpu.VMEM((_IPP, _LANE), jnp.int32),
            pltpu.VMEM((_CH, EMBED_DIM), jnp.float32),
            pltpu.VMEM((_CH, EMBED_DIM), jnp.float32),
            pltpu.SemaphoreType.DMA,
            pltpu.SemaphoreType.DMA,
            pltpu.SemaphoreType.DMA,
            pltpu.SemaphoreType.DMA,
            pltpu.SemaphoreType.DMA,
            pltpu.SemaphoreType.DMA,
        ],
        compiler_params=pltpu.CompilerParams(use_tc_tiling_on_sc=False),
    )
    def gather_kernel(idx_hbm, table_hbm, out_hbm, ibuf0, ibuf1, rows0, rows1,
                      isem0, isem1, gsem0, gsem1, osem0, osem1):
        nc = lax.axis_size("c")
        wid = lax.axis_index("s") * nc + lax.axis_index("c")
        out_base = wid * b_per_w
        idx_base = wid * idx_rows_per_w

        def idx_copy(pair, ibuf, isem):
            row0 = pl.multiple_of(idx_base + pair * _IPP, 8)
            return pltpu.make_async_copy(
                idx_hbm.at[pl.ds(row0, _IPP), :], ibuf, isem)

        def gathers(ibuf, half, rows, gsem):
            return [
                pltpu.make_async_copy(
                    table_hbm.at[ibuf.at[half * _GPC + j]],
                    rows.at[pl.ds(j * _LANE, _LANE), :],
                    gsem,
                )
                for j in range(_GPC)
            ]

        def writeback(chunk, rows, osem):
            base = pl.multiple_of(out_base + chunk * _CH, _CH)
            return pltpu.make_async_copy(
                rows, out_hbm.at[pl.ds(base, _CH), :], osem)

        idx_copy(0, ibuf0, isem0).start()
        idx_copy(1, ibuf1, isem1).start()
        idx_copy(0, ibuf0, isem0).wait()
        for c in gathers(ibuf0, 0, rows0, gsem0):
            c.start()

        def body(p, carry):
            pb = p % 2

            def run(ibuf, isem, ibuf_n, isem_n):
                for c in gathers(ibuf, 0, rows0, gsem0):
                    c.wait()

                @pl.when(p >= 1)
                def _():
                    writeback(0, rows1, osem1).wait()

                for c in gathers(ibuf, 1, rows1, gsem1):
                    c.start()
                writeback(2 * p, rows0, osem0).start()

                for c in gathers(ibuf, 1, rows1, gsem1):
                    c.wait()

                @pl.when(p + 2 < n_pairs)
                def _():
                    idx_copy(p + 2, ibuf, isem).start()

                writeback(0, rows0, osem0).wait()

                @pl.when(p + 1 < n_pairs)
                def _():
                    idx_copy(p + 1, ibuf_n, isem_n).wait()
                    for c in gathers(ibuf_n, 0, rows0, gsem0):
                        c.start()

                writeback(2 * p + 1, rows1, osem1).start()

            @pl.when(pb == 0)
            def _():
                run(ibuf0, isem0, ibuf1, isem1)

            @pl.when(pb == 1)
            def _():
                run(ibuf1, isem1, ibuf0, isem0)

            return carry

        lax.fori_loop(0, n_pairs, body, 0)
        writeback(0, rows1, osem1).wait()

    return gather_kernel


def kernel(nodes, emb_weight):
    info = plsc.get_sparse_core_info()
    nw = info.num_cores * info.num_subcores
    idx2d = nodes.reshape(_B // _LANE, _LANE)
    out = _make_gather(nw)(idx2d, emb_weight)
    return out.reshape(BATCH, HIST, EMBED_DIM)

# --- scband reference (transcript-rebuilt; emitter-appended) ---
"""Pipeline reference for scband-coord2vec-9809705305150 (READ-ONLY COPY).

The authoritative reference and input builder live on the scoring server;
editing this copy changes nothing except your own understanding.
"""

import jax, jax.numpy as jnp
import numpy as np

NUM_NODES = 1000000
EMBED_DIM = 64
BATCH = 16384
HIST = 50

def setup_inputs(seed: int = 0) -> dict:
    key = jax.random.key(seed)
    k1, k2 = jax.random.split(key)
    nodes = jax.random.randint(k1, (BATCH, HIST), 0, NUM_NODES, dtype=jnp.int32)
    emb_weight = jax.random.normal(k2, (NUM_NODES, EMBED_DIM), dtype=jnp.float32)
    return {"nodes": nodes, "emb_weight": emb_weight}

def reference(nodes, emb_weight):
    # Coord2vec.forward(nodes): emb = self.embedding.weight; return emb[nodes]
    return jnp.take(emb_weight, nodes, axis=0)

if __name__ == "__main__":
    import jax
    _d = setup_inputs()
    print(jax.jit(kernel)(*tuple(_d.values())))

</pallas_src>

<mosaic_0001>
#map = affine_map<(d0, d1) -> (0, 0)>
module attributes {stable_mosaic.version = 14 : i64} {
  func.func @gather_kernel(%arg0: i32, %arg1: i32, %arg2: memref<6400x128xi32, #tpu.memory_space<hbm>>, %arg3: memref<1000000x64xf32, #tpu.memory_space<hbm>>, %arg4: memref<819200x64xf32, #tpu.memory_space<hbm>>, %arg5: memref<8x128xi32, #tpu.memory_space<vmem>>, %arg6: memref<8x128xi32, #tpu.memory_space<vmem>>, %arg7: memref<512x64xf32, #tpu.memory_space<vmem>>, %arg8: memref<512x64xf32, #tpu.memory_space<vmem>>, %arg9: memref<!tpu.dma_semaphore, #tpu.memory_space<semaphore_mem>>, %arg10: memref<!tpu.dma_semaphore, #tpu.memory_space<semaphore_mem>>, %arg11: memref<!tpu.dma_semaphore, #tpu.memory_space<semaphore_mem>>, %arg12: memref<!tpu.dma_semaphore, #tpu.memory_space<semaphore_mem>>, %arg13: memref<!tpu.dma_semaphore, #tpu.memory_space<semaphore_mem>>, %arg14: memref<!tpu.dma_semaphore, #tpu.memory_space<semaphore_mem>>) attributes {dimension_semantics = [#tpu.dimension_semantics<core_parallel>, #tpu.dimension_semantics<subcore_parallel>], iteration_bounds = array<i64: 2, 16>, scalar_prefetch = 0 : i64, scratch_operands = 10 : i64, tpu.core_type = #tpu.core_type<sc_vector_subcore>, window_params = [{transform_indices = #map}, {transform_indices = #map}, {transform_indices = #map}]} {
    %mul3A = arith.constant 2 : i32
    %mul3A_0 = arith.muli %arg1, %mul3A : i32
    %add3A = arith.addi %mul3A_0, %arg0 : i32
    %mul3A_1 = arith.constant 25600 : i32
    %mul3A_2 = arith.muli %add3A, %mul3A_1 : i32
    %mul3A_3 = arith.constant 200 : i32
    %mul3A_4 = arith.muli %add3A, %mul3A_3 : i32
    %add3A_5 = arith.constant 0 : i32
    %add3A_6 = arith.addi %mul3A_4, %add3A_5 : i32
    %multiple_of3A = tpu.assume_multiple %add3A_6, 8 : i32
    %dma_start3A = arith.constant 0 : i32
    %dma_start3A_7 = tpu.memref_slice %arg2[%multiple_of3A, %dma_start3A] : memref<6400x128xi32, #tpu.memory_space<hbm>> -> memref<8x128xi32, #tpu.memory_space<hbm>>
    %dma_start3A_8 = arith.constant 0 : i32
    %dma_start3A_9 = tpu.memref_slice %arg2[%multiple_of3A, %dma_start3A_8] : memref<6400x128xi32, #tpu.memory_space<hbm>> -> memref<8x128xi32, #tpu.memory_space<hbm>>
    tpu.enqueue_dma source(%dma_start3A_9 : memref<8x128xi32, #tpu.memory_space<hbm>>) target(%arg5 : memref<8x128xi32, #tpu.memory_space<vmem>>) target_semaphore(%arg9 : memref<!tpu.dma_semaphore, #tpu.memory_space<semaphore_mem>>)
    %add3A_10 = arith.constant 8 : i32
    %add3A_11 = arith.addi %mul3A_4, %add3A_10 : i32
    %multiple_of3A_12 = tpu.assume_multiple %add3A_11, 8 : i32
    %dma_start3A_13 = arith.constant 0 : i32
    %dma_start3A_14 = tpu.memref_slice %arg2[%multiple_of3A_12, %dma_start3A_13] : memref<6400x128xi32, #tpu.memory_space<hbm>> -> memref<8x128xi32, #tpu.memory_space<hbm>>
    %dma_start3A_15 = arith.constant 0 : i32
    %dma_start3A_16 = tpu.memref_slice %arg2[%multiple_of3A_12, %dma_start3A_15] : memref<6400x128xi32, #tpu.memory_space<hbm>> -> memref<8x128xi32, #tpu.memory_space<hbm>>
    tpu.enqueue_dma source(%dma_start3A_16 : memref<8x128xi32, #tpu.memory_space<hbm>>) target(%arg6 : memref<8x128xi32, #tpu.memory_space<vmem>>) target_semaphore(%arg10 : memref<!tpu.dma_semaphore, #tpu.memory_space<semaphore_mem>>)
    %add3A_17 = arith.constant 0 : i32
    %add3A_18 = arith.addi %mul3A_4, %add3A_17 : i32
    %multiple_of3A_19 = tpu.assume_multiple %add3A_18, 8 : i32
    %dma_wait3A = arith.constant 0 : i32
    %dma_wait3A_20 = tpu.memref_slice %arg2[%multiple_of3A_19, %dma_wait3A] : memref<6400x128xi32, #tpu.memory_space<hbm>> -> memref<8x128xi32, #tpu.memory_space<hbm>>
    %dma_wait3A_21 = arith.constant 0 : i32
    %dma_wait3A_22 = tpu.memref_slice %arg2[%multiple_of3A_19, %dma_wait3A_21] : memref<6400x128xi32, #tpu.memory_space<hbm>> -> memref<8x128xi32, #tpu.memory_space<hbm>>
    tpu.wait_dma2 semaphore(%arg9 : memref<!tpu.dma_semaphore, #tpu.memory_space<semaphore_mem>>) src(%dma_wait3A_22 : memref<8x128xi32, #tpu.memory_space<hbm>>) dst(%arg5 : memref<8x128xi32, #tpu.memory_space<vmem>>)
    %dma_start3A_23 = arith.constant 0 : i32
    %dma_start3A_24 = arith.constant 0 : i32
    %dma_start3A_25 = arith.constant 0 : i32
    %dma_start3A_26 = tpu.memref_slice %arg7[%dma_start3A_24, %dma_start3A_25] : memref<512x64xf32, #tpu.memory_space<vmem>> -> memref<128x64xf32, #tpu.memory_space<vmem>>
    %dma_start3A_27 = arith.constant 0 : i32
    %dma_start3A_28 = tpu.memref_slice %arg5[%dma_start3A_23, %dma_start3A_27] : memref<8x128xi32, #tpu.memory_space<vmem>> -> memref<1x128xi32, #tpu.memory_space<vmem>>
    %dma_start3A_29 = tpu.memref_squeeze %dma_start3A_28 : memref<1x128xi32, #tpu.memory_space<vmem>> -> memref<128xi32, #tpu.memory_space<vmem>>
    %dma_start3A_30 = arith.constant 0 : i32
    %dma_start3A_31 = arith.constant 0 : i32
    %dma_start3A_32 = tpu.memref_slice %arg3[%dma_start3A_30, %dma_start3A_31] : memref<1000000x64xf32, #tpu.memory_space<hbm>> -> memref<1000000x64xf32, #tpu.memory_space<hbm>>
    tpu.enqueue_indirect_dma source(%dma_start3A_32 : memref<1000000x64xf32, #tpu.memory_space<hbm>>) target(%dma_start3A_26 : memref<128x64xf32, #tpu.memory_space<vmem>>) offsets(%dma_start3A_29 : memref<128xi32, #tpu.memory_space<vmem>>) semaphore(%arg11 : memref<!tpu.dma_semaphore, #tpu.memory_space<semaphore_mem>>)
    %dma_start3A_33 = arith.constant 1 : i32
    %dma_start3A_34 = arith.constant 128 : i32
    %dma_start3A_35 = arith.constant 0 : i32
    %dma_start3A_36 = tpu.memref_slice %arg7[%dma_start3A_34, %dma_start3A_35] : memref<512x64xf32, #tpu.memory_space<vmem>> -> memref<128x64xf32, #tpu.memory_space<vmem>>
    %dma_start3A_37 = arith.constant 0 : i32
    %dma_start3A_38 = tpu.memref_slice %arg5[%dma_start3A_33, %dma_start3A_37] : memref<8x128xi32, #tpu.memory_space<vmem>> -> memref<1x128xi32, #tpu.memory_space<vmem>>
    %dma_start3A_39 = tpu.memref_squeeze %dma_start3A_38 : memref<1x128xi32, #tpu.memory_space<vmem>> -> memref<128xi32, #tpu.memory_space<vmem>>
    %dma_start3A_40 = arith.constant 0 : i32
    %dma_start3A_41 = arith.constant 0 : i32
    %dma_start3A_42 = tpu.memref_slice %arg3[%dma_start3A_40, %dma_start3A_41] : memref<1000000x64xf32, #tpu.memory_space<hbm>> -> memref<1000000x64xf32, #tpu.memory_space<hbm>>
    tpu.enqueue_indirect_dma source(%dma_start3A_42 : memref<1000000x64xf32, #tpu.memory_space<hbm>>) target(%dma_start3A_36 : memref<128x64xf32, #tpu.memory_space<vmem>>) offsets(%dma_start3A_39 : memref<128xi32, #tpu.memory_space<vmem>>) semaphore(%arg11 : memref<!tpu.dma_semaphore, #tpu.memory_space<semaphore_mem>>)
    %dma_start3A_43 = arith.constant 2 : i32
    %dma_start3A_44 = arith.constant 256 : i32
    %dma_start3A_45 = arith.constant 0 : i32
    %dma_start3A_46 = tpu.memref_slice %arg7[%dma_start3A_44, %dma_start3A_45] : memref<512x64xf32, #tpu.memory_space<vmem>> -> memref<128x64xf32, #tpu.memory_space<vmem>>
    %dma_start3A_47 = arith.constant 0 : i32
    %dma_start3A_48 = tpu.memref_slice %arg5[%dma_start3A_43, %dma_start3A_47] : memref<8x128xi32, #tpu.memory_space<vmem>> -> memref<1x128xi32, #tpu.memory_space<vmem>>
    %dma_start3A_49 = tpu.memref_squeeze %dma_start3A_48 : memref<1x128xi32, #tpu.memory_space<vmem>> -> memref<128xi32, #tpu.memory_space<vmem>>
    %dma_start3A_50 = arith.constant 0 : i32
    %dma_start3A_51 = arith.constant 0 : i32
    %dma_start3A_52 = tpu.memref_slice %arg3[%dma_start3A_50, %dma_start3A_51] : memref<1000000x64xf32, #tpu.memory_space<hbm>> -> memref<1000000x64xf32, #tpu.memory_space<hbm>>
    tpu.enqueue_indirect_dma source(%dma_start3A_52 : memref<1000000x64xf32, #tpu.memory_space<hbm>>) target(%dma_start3A_46 : memref<128x64xf32, #tpu.memory_space<vmem>>) offsets(%dma_start3A_49 : memref<128xi32, #tpu.memory_space<vmem>>) semaphore(%arg11 : memref<!tpu.dma_semaphore, #tpu.memory_space<semaphore_mem>>)
    %dma_start3A_53 = arith.constant 3 : i32
    %dma_start3A_54 = arith.constant 384 : i32
    %dma_start3A_55 = arith.constant 0 : i32
    %dma_start3A_56 = tpu.memref_slice %arg7[%dma_start3A_54, %dma_start3A_55] : memref<512x64xf32, #tpu.memory_space<vmem>> -> memref<128x64xf32, #tpu.memory_space<vmem>>
    %dma_start3A_57 = arith.constant 0 : i32
    %dma_start3A_58 = tpu.memref_slice %arg5[%dma_start3A_53, %dma_start3A_57] : memref<8x128xi32, #tpu.memory_space<vmem>> -> memref<1x128xi32, #tpu.memory_space<vmem>>
    %dma_start3A_59 = tpu.memref_squeeze %dma_start3A_58 : memref<1x128xi32, #tpu.memory_space<vmem>> -> memref<128xi32, #tpu.memory_space<vmem>>
    %dma_start3A_60 = arith.constant 0 : i32
    %dma_start3A_61 = arith.constant 0 : i32
    %dma_start3A_62 = tpu.memref_slice %arg3[%dma_start3A_60, %dma_start3A_61] : memref<1000000x64xf32, #tpu.memory_space<hbm>> -> memref<1000000x64xf32, #tpu.memory_space<hbm>>
    tpu.enqueue_indirect_dma source(%dma_start3A_62 : memref<1000000x64xf32, #tpu.memory_space<hbm>>) target(%dma_start3A_56 : memref<128x64xf32, #tpu.memory_space<vmem>>) offsets(%dma_start3A_59 : memref<128xi32, #tpu.memory_space<vmem>>) semaphore(%arg11 : memref<!tpu.dma_semaphore, #tpu.memory_space<semaphore_mem>>)
    %scan3A = arith.constant 0 : i32
    %scan3A_63 = arith.constant 0 : i32
    %scan3A_64 = arith.constant 25 : i32
    %scan3A_65 = arith.addi %scan3A_63, %scan3A_64 : i32
    %scan3A_66 = arith.constant 1 : i32
    scf.for %scan3A_75 = %scan3A_63 to %scan3A_65 step %scan3A_66  : i32 {
      %jit3A = arith.constant 2 : i32
      %eq3A = arith.constant 0 : i32
      %eq3A_76 = arith.cmpi eq, %jit3A, %eq3A : i32
      %jit3A_77 = arith.constant 1 : i32
      %select_n3A = arith.select %eq3A_76, %jit3A_77, %jit3A : i32
      %rem3A = arith.remsi %scan3A_75, %select_n3A : i32
      %ne3A = arith.constant 0 : i32
      %ne3A_78 = arith.cmpi ne, %rem3A, %ne3A : i32
      %lt3A = arith.constant 0 : i32
      %lt3A_79 = arith.cmpi slt, %rem3A, %lt3A : i32
      %lt3A_80 = arith.constant 0 : i32
      %lt3A_81 = arith.cmpi slt, %select_n3A, %lt3A_80 : i32
      %ne3A_82 = arith.xori %lt3A_79, %lt3A_81 : i1
      %and3A = arith.andi %ne3A_82, %ne3A_78 : i1
      %add3A_83 = arith.addi %rem3A, %select_n3A : i32
      %select_n3A_84 = arith.select %and3A, %add3A_83, %rem3A : i32
      %eq3A_85 = arith.constant 0 : i32
      %eq3A_86 = arith.cmpi eq, %select_n3A_84, %eq3A_85 : i32
      %convert_element_type3A = arith.extui %eq3A_86 : i1 to i32
      %cond3A = arith.constant 0 : i32
      %cond3A_87 = arith.cmpi ne, %convert_element_type3A, %cond3A : i32
      scf.if %cond3A_87 {
        %dma_wait3A_93 = arith.constant 0 : i32
        %dma_wait3A_94 = arith.constant 0 : i32
        %dma_wait3A_95 = arith.constant 0 : i32
        %dma_wait3A_96 = tpu.memref_slice %arg7[%dma_wait3A_94, %dma_wait3A_95] : memref<512x64xf32, #tpu.memory_space<vmem>> -> memref<128x64xf32, #tpu.memory_space<vmem>>
        %dma_wait3A_97 = arith.constant 0 : i32
        %dma_wait3A_98 = tpu.memref_slice %arg5[%dma_wait3A_93, %dma_wait3A_97] : memref<8x128xi32, #tpu.memory_space<vmem>> -> memref<1x128xi32, #tpu.memory_space<vmem>>
        %dma_wait3A_99 = tpu.memref_squeeze %dma_wait3A_98 : memref<1x128xi32, #tpu.memory_space<vmem>> -> memref<128xi32, #tpu.memory_space<vmem>>
        %dma_wait3A_100 = arith.constant 0 : i32
        %dma_wait3A_101 = arith.constant 0 : i32
        %dma_wait3A_102 = tpu.memref_slice %arg3[%dma_wait3A_100, %dma_wait3A_101] : memref<1000000x64xf32, #tpu.memory_space<hbm>> -> memref<1000000x64xf32, #tpu.memory_space<hbm>>
        tpu.wait_indirect_dma semaphore(%arg11 : memref<!tpu.dma_semaphore, #tpu.memory_space<semaphore_mem>>) src(%dma_wait3A_102 : memref<1000000x64xf32, #tpu.memory_space<hbm>>) dst(%dma_wait3A_96 : memref<128x64xf32, #tpu.memory_space<vmem>>)
        %dma_wait3A_103 = arith.constant 1 : i32
        %dma_wait3A_104 = arith.constant 128 : i32
        %dma_wait3A_105 = arith.constant 0 : i32
        %dma_wait3A_106 = tpu.memref_slice %arg7[%dma_wait3A_104, %dma_wait3A_105] : memref<512x64xf32, #tpu.memory_space<vmem>> -> memref<128x64xf32, #tpu.memory_space<vmem>>
        %dma_wait3A_107 = arith.constant 0 : i32
        %dma_wait3A_108 = tpu.memref_slice %arg5[%dma_wait3A_103, %dma_wait3A_107] : memref<8x128xi32, #tpu.memory_space<vmem>> -> memref<1x128xi32, #tpu.memory_space<vmem>>
        %dma_wait3A_109 = tpu.memref_squeeze %dma_wait3A_108 : memref<1x128xi32, #tpu.memory_space<vmem>> -> memref<128xi32, #tpu.memory_space<vmem>>
        %dma_wait3A_110 = arith.constant 0 : i32
        %dma_wait3A_111 = arith.constant 0 : i32
        %dma_wait3A_112 = tpu.memref_slice %arg3[%dma_wait3A_110, %dma_wait3A_111] : memref<1000000x64xf32, #tpu.memory_space<hbm>> -> memref<1000000x64xf32, #tpu.memory_space<hbm>>
        tpu.wait_indirect_dma semaphore(%arg11 : memref<!tpu.dma_semaphore, #tpu.memory_space<semaphore_mem>>) src(%dma_wait3A_112 : memref<1000000x64xf32, #tpu.memory_space<hbm>>) dst(%dma_wait3A_106 : memref<128x64xf32, #tpu.memory_space<vmem>>)
        %dma_wait3A_113 = arith.constant 2 : i32
        %dma_wait3A_114 = arith.constant 256 : i32
        %dma_wait3A_115 = arith.constant 0 : i32
        %dma_wait3A_116 = tpu.memref_slice %arg7[%dma_wait3A_114, %dma_wait3A_115] : memref<512x64xf32, #tpu.memory_space<vmem>> -> memref<128x64xf32, #tpu.memory_space<vmem>>
        %dma_wait3A_117 = arith.constant 0 : i32
        %dma_wait3A_118 = tpu.memref_slice %arg5[%dma_wait3A_113, %dma_wait3A_117] : memref<8x128xi32, #tpu.memory_space<vmem>> -> memref<1x128xi32, #tpu.memory_space<vmem>>
        %dma_wait3A_119 = tpu.memref_squeeze %dma_wait3A_118 : memref<1x128xi32, #tpu.memory_space<vmem>> -> memref<128xi32, #tpu.memory_space<vmem>>
        %dma_wait3A_120 = arith.constant 0 : i32
        %dma_wait3A_121 = arith.constant 0 : i32
        %dma_wait3A_122 = tpu.memref_slice %arg3[%dma_wait3A_120, %dma_wait3A_121] : memref<1000000x64xf32, #tpu.memory_space<hbm>> -> memref<1000000x64xf32, #tpu.memory_space<hbm>>
        tpu.wait_indirect_dma semaphore(%arg11 : memref<!tpu.dma_semaphore, #tpu.memory_space<semaphore_mem>>) src(%dma_wait3A_122 : memref<1000000x64xf32, #tpu.memory_space<hbm>>) dst(%dma_wait3A_116 : memref<128x64xf32, #tpu.memory_space<vmem>>)
        %dma_wait3A_123 = arith.constant 3 : i32
        %dma_wait3A_124 = arith.constant 384 : i32
        %dma_wait3A_125 = arith.constant 0 : i32
        %dma_wait3A_126 = tpu.memref_slice %arg7[%dma_wait3A_124, %dma_wait3A_125] : memref<512x64xf32, #tpu.memory_space<vmem>> -> memref<128x64xf32, #tpu.memory_space<vmem>>
        %dma_wait3A_127 = arith.constant 0 : i32
        %dma_wait3A_128 = tpu.memref_slice %arg5[%dma_wait3A_123, %dma_wait3A_127] : memref<8x128xi32, #tpu.memory_space<vmem>> -> memref<1x128xi32, #tpu.memory_space<vmem>>
        %dma_wait3A_129 = tpu.memref_squeeze %dma_wait3A_128 : memref<1x128xi32, #tpu.memory_space<vmem>> -> memref<128xi32, #tpu.memory_space<vmem>>
        %dma_wait3A_130 = arith.constant 0 : i32
        %dma_wait3A_131 = arith.constant 0 : i32
        %dma_wait3A_132 = tpu.memref_slice %arg3[%dma_wait3A_130, %dma_wait3A_131] : memref<1000000x64xf32, #tpu.memory_space<hbm>> -> memref<1000000x64xf32, #tpu.memory_space<hbm>>
        tpu.wait_indirect_dma semaphore(%arg11 : memref<!tpu.dma_semaphore, #tpu.memory_space<semaphore_mem>>) src(%dma_wait3A_132 : memref<1000000x64xf32, #tpu.memory_space<hbm>>) dst(%dma_wait3A_126 : memref<128x64xf32, #tpu.memory_space<vmem>>)
        %ge3A = arith.constant 1 : i32
        %ge3A_133 = arith.cmpi sge, %scan3A_75, %ge3A : i32
        %convert_element_type3A_134 = arith.extui %ge3A_133 : i1 to i32
        %cond3A_135 = arith.constant 0 : i32
        %cond3A_136 = arith.cmpi ne, %convert_element_type3A_134, %cond3A_135 : i32
        scf.if %cond3A_136 {
          %add3A_260 = arith.constant 0 : i32
          %add3A_261 = arith.addi %mul3A_2, %add3A_260 : i32
          %multiple_of3A_262 = tpu.assume_multiple %add3A_261, 512 : i32
          %dma_wait3A_263 = arith.constant 0 : i32
          %dma_wait3A_264 = tpu.memref_slice %arg4[%multiple_of3A_262, %dma_wait3A_263] : memref<819200x64xf32, #tpu.memory_space<hbm>> -> memref<512x64xf32, #tpu.memory_space<hbm>>
          %dma_wait3A_265 = arith.constant 0 : i32
          %dma_wait3A_266 = tpu.memref_slice %arg4[%multiple_of3A_262, %dma_wait3A_265] : memref<819200x64xf32, #tpu.memory_space<hbm>> -> memref<512x64xf32, #tpu.memory_space<hbm>>
          tpu.wait_dma2 semaphore(%arg14 : memref<!tpu.dma_semaphore, #tpu.memory_space<semaphore_mem>>) src(%arg8 : memref<512x64xf32, #tpu.memory_space<vmem>>) dst(%dma_wait3A_266 : memref<512x64xf32, #tpu.memory_space<hbm>>)
        } else {
        }
        %dma_start3A_137 = arith.constant 4 : i32
        %dma_start3A_138 = arith.constant 0 : i32
        %dma_start3A_139 = arith.constant 0 : i32
        %dma_start3A_140 = tpu.memref_slice %arg8[%dma_start3A_138, %dma_start3A_139] : memref<512x64xf32, #tpu.memory_space<vmem>> -> memref<128x64xf32, #tpu.memory_space<vmem>>
        %dma_start3A_141 = arith.constant 0 : i32
        %dma_start3A_142 = tpu.memref_slice %arg5[%dma_start3A_137, %dma_start3A_141] : memref<8x128xi32, #tpu.memory_space<vmem>> -> memref<1x128xi32, #tpu.memory_space<vmem>>
        %dma_start3A_143 = tpu.memref_squeeze %dma_start3A_142 : memref<1x128xi32, #tpu.memory_space<vmem>> -> memref<128xi32, #tpu.memory_space<vmem>>
        %dma_start3A_144 = arith.constant 0 : i32
        %dma_start3A_145 = arith.constant 0 : i32
        %dma_start3A_146 = tpu.memref_slice %arg3[%dma_start3A_144, %dma_start3A_145] : memref<1000000x64xf32, #tpu.memory_space<hbm>> -> memref<1000000x64xf32, #tpu.memory_space<hbm>>
        tpu.enqueue_indirect_dma source(%dma_start3A_146 : memref<1000000x64xf32, #tpu.memory_space<hbm>>) target(%dma_start3A_140 : memref<128x64xf32, #tpu.memory_space<vmem>>) offsets(%dma_start3A_143 : memref<128xi32, #tpu.memory_space<vmem>>) semaphore(%arg12 : memref<!tpu.dma_semaphore, #tpu.memory_space<semaphore_mem>>)
        %dma_start3A_147 = arith.constant 5 : i32
        %dma_start3A_148 = arith.constant 128 : i32
        %dma_start3A_149 = arith.constant 0 : i32
        %dma_start3A_150 = tpu.memref_slice %arg8[%dma_start3A_148, %dma_start3A_149] : memref<512x64xf32, #tpu.memory_space<vmem>> -> memref<128x64xf32, #tpu.memory_space<vmem>>
        %dma_start3A_151 = arith.constant 0 : i32
        %dma_start3A_152 = tpu.memref_slice %arg5[%dma_start3A_147, %dma_start3A_151] : memref<8x128xi32, #tpu.memory_space<vmem>> -> memref<1x128xi32, #tpu.memory_space<vmem>>
        %dma_start3A_153 = tpu.memref_squeeze %dma_start3A_152 : memref<1x128xi32, #tpu.memory_space<vmem>> -> memref<128xi32, #tpu.memory_space<vmem>>
        %dma_start3A_154 = arith.constant 0 : i32
        %dma_start3A_155 = arith.constant 0 : i32
        %dma_start3A_156 = tpu.memref_slice %arg3[%dma_start3A_154, %dma_start3A_155] : memref<1000000x64xf32, #tpu.memory_space<hbm>> -> memref<1000000x64xf32, #tpu.memory_space<hbm>>
        tpu.enqueue_indirect_dma source(%dma_start3A_156 : memref<1000000x64xf32, #tpu.memory_space<hbm>>) target(%dma_start3A_150 : memref<128x64xf32, #tpu.memory_space<vmem>>) offsets(%dma_start3A_153 : memref<128xi32, #tpu.memory_space<vmem>>) semaphore(%arg12 : memref<!tpu.dma_semaphore, #tpu.memory_space<semaphore_mem>>)
        %dma_start3A_157 = arith.constant 6 : i32
        %dma_start3A_158 = arith.constant 256 : i32
        %dma_start3A_159 = arith.constant 0 : i32
        %dma_start3A_160 = tpu.memref_slice %arg8[%dma_start3A_158, %dma_start3A_159] : memref<512x64xf32, #tpu.memory_space<vmem>> -> memref<128x64xf32, #tpu.memory_space<vmem>>
        %dma_start3A_161 = arith.constant 0 : i32
        %dma_start3A_162 = tpu.memref_slice %arg5[%dma_start3A_157, %dma_start3A_161] : memref<8x128xi32, #tpu.memory_space<vmem>> -> memref<1x128xi32, #tpu.memory_space<vmem>>
        %dma_start3A_163 = tpu.memref_squeeze %dma_start3A_162 : memref<1x128xi32, #tpu.memory_space<vmem>> -> memref<128xi32, #tpu.memory_space<vmem>>
        %dma_start3A_164 = arith.constant 0 : i32
        %dma_start3A_165 = arith.constant 0 : i32
        %dma_start3A_166 = tpu.memref_slice %arg3[%dma_start3A_164, %dma_start3A_165] : memref<1000000x64xf32, #tpu.memory_space<hbm>> -> memref<1000000x64xf32, #tpu.memory_space<hbm>>
        tpu.enqueue_indirect_dma source(%dma_start3A_166 : memref<1000000x64xf32, #tpu.memory_space<hbm>>) target(%dma_start3A_160 : memref<128x64xf32, #tpu.memory_space<vmem>>) offsets(%dma_start3A_163 : memref<128xi32, #tpu.memory_space<vmem>>) semaphore(%arg12 : memref<!tpu.dma_semaphore, #tpu.memory_space<semaphore_mem>>)
        %dma_start3A_167 = arith.constant 7 : i32
        %dma_start3A_168 = arith.constant 384 : i32
        %dma_start3A_169 = arith.constant 0 : i32
        %dma_start3A_170 = tpu.memref_slice %arg8[%dma_start3A_168, %dma_start3A_169] : memref<512x64xf32, #tpu.memory_space<vmem>> -> memref<128x64xf32, #tpu.memory_space<vmem>>
        %dma_start3A_171 = arith.constant 0 : i32
        %dma_start3A_172 = tpu.memref_slice %arg5[%dma_start3A_167, %dma_start3A_171] : memref<8x128xi32, #tpu.memory_space<vmem>> -> memref<1x128xi32, #tpu.memory_space<vmem>>
        %dma_start3A_173 = tpu.memref_squeeze %dma_start3A_172 : memref<1x128xi32, #tpu.memory_space<vmem>> -> memref<128xi32, #tpu.memory_space<vmem>>
        %dma_start3A_174 = arith.constant 0 : i32
        %dma_start3A_175 = arith.constant 0 : i32
        %dma_start3A_176 = tpu.memref_slice %arg3[%dma_start3A_174, %dma_start3A_175] : memref<1000000x64xf32, #tpu.memory_space<hbm>> -> memref<1000000x64xf32, #tpu.memory_space<hbm>>
        tpu.enqueue_indirect_dma source(%dma_start3A_176 : memref<1000000x64xf32, #tpu.memory_space<hbm>>) target(%dma_start3A_170 : memref<128x64xf32, #tpu.memory_space<vmem>>) offsets(%dma_start3A_173 : memref<128xi32, #tpu.memory_space<vmem>>) semaphore(%arg12 : memref<!tpu.dma_semaphore, #tpu.memory_space<semaphore_mem>>)
        %mul3A_177 = arith.constant 2 : i32
        %mul3A_178 = arith.muli %mul3A_177, %scan3A_75 : i32
        %mul3A_179 = arith.constant 512 : i32
        %mul3A_180 = arith.muli %mul3A_178, %mul3A_179 : i32
        %add3A_181 = arith.addi %mul3A_2, %mul3A_180 : i32
        %multiple_of3A_182 = tpu.assume_multiple %add3A_181, 512 : i32
        %dma_start3A_183 = arith.constant 0 : i32
        %dma_start3A_184 = tpu.memref_slice %arg4[%multiple_of3A_182, %dma_start3A_183] : memref<819200x64xf32, #tpu.memory_space<hbm>> -> memref<512x64xf32, #tpu.memory_space<hbm>>
        %dma_start3A_185 = arith.constant 0 : i32
        %dma_start3A_186 = tpu.memref_slice %arg4[%multiple_of3A_182, %dma_start3A_185] : memref<819200x64xf32, #tpu.memory_space<hbm>> -> memref<512x64xf32, #tpu.memory_space<hbm>>
        tpu.enqueue_dma source(%arg7 : memref<512x64xf32, #tpu.memory_space<vmem>>) target(%dma_start3A_186 : memref<512x64xf32, #tpu.memory_space<hbm>>) target_semaphore(%arg13 : memref<!tpu.dma_semaphore, #tpu.memory_space<semaphore_mem>>)
        %dma_wait3A_187 = arith.constant 4 : i32
        %dma_wait3A_188 = arith.constant 0 : i32
        %dma_wait3A_189 = arith.constant 0 : i32
        %dma_wait3A_190 = tpu.memref_slice %arg8[%dma_wait3A_188, %dma_wait3A_189] : memref<512x64xf32, #tpu.memory_space<vmem>> -> memref<128x64xf32, #tpu.memory_space<vmem>>
        %dma_wait3A_191 = arith.constant 0 : i32
        %dma_wait3A_192 = tpu.memref_slice %arg5[%dma_wait3A_187, %dma_wait3A_191] : memref<8x128xi32, #tpu.memory_space<vmem>> -> memref<1x128xi32, #tpu.memory_space<vmem>>
        %dma_wait3A_193 = tpu.memref_squeeze %dma_wait3A_192 : memref<1x128xi32, #tpu.memory_space<vmem>> -> memref<128xi32, #tpu.memory_space<vmem>>
        %dma_wait3A_194 = arith.constant 0 : i32
        %dma_wait3A_195 = arith.constant 0 : i32
        %dma_wait3A_196 = tpu.memref_slice %arg3[%dma_wait3A_194, %dma_wait3A_195] : memref<1000000x64xf32, #tpu.memory_space<hbm>> -> memref<1000000x64xf32, #tpu.memory_space<hbm>>
        tpu.wait_indirect_dma semaphore(%arg12 : memref<!tpu.dma_semaphore, #tpu.memory_space<semaphore_mem>>) src(%dma_wait3A_196 : memref<1000000x64xf32, #tpu.memory_space<hbm>>) dst(%dma_wait3A_190 : memref<128x64xf32, #tpu.memory_space<vmem>>)
        %dma_wait3A_197 = arith.constant 5 : i32
        %dma_wait3A_198 = arith.constant 128 : i32
        %dma_wait3A_199 = arith.constant 0 : i32
        %dma_wait3A_200 = tpu.memref_slice %arg8[%dma_wait3A_198, %dma_wait3A_199] : memref<512x64xf32, #tpu.memory_space<vmem>> -> memref<128x64xf32, #tpu.memory_space<vmem>>
        %dma_wait3A_201 = arith.constant 0 : i32
        %dma_wait3A_202 = tpu.memref_slice %arg5[%dma_wait3A_197, %dma_wait3A_201] : memref<8x128xi32, #tpu.memory_space<vmem>> -> memref<1x128xi32, #tpu.memory_space<vmem>>
        %dma_wait3A_203 = tpu.memref_squeeze %dma_wait3A_202 : memref<1x128xi32, #tpu.memory_space<vmem>> -> memref<128xi32, #tpu.memory_space<vmem>>
        %dma_wait3A_204 = arith.constant 0 : i32
        %dma_wait3A_205 = arith.constant 0 : i32
        %dma_wait3A_206 = tpu.memref_slice %arg3[%dma_wait3A_204, %dma_wait3A_205] : memref<1000000x64xf32, #tpu.memory_space<hbm>> -> memref<1000000x64xf32, #tpu.memory_space<hbm>>
        tpu.wait_indirect_dma semaphore(%arg12 : memref<!tpu.dma_semaphore, #tpu.memory_space<semaphore_mem>>) src(%dma_wait3A_206 : memref<1000000x64xf32, #tpu.memory_space<hbm>>) dst(%dma_wait3A_200 : memref<128x64xf32, #tpu.memory_space<vmem>>)
        %dma_wait3A_207 = arith.constant 6 : i32
        %dma_wait3A_208 = arith.constant 256 : i32
        %dma_wait3A_209 = arith.constant 0 : i32
        %dma_wait3A_210 = tpu.memref_slice %arg8[%dma_wait3A_208, %dma_wait3A_209] : memref<512x64xf32, #tpu.memory_space<vmem>> -> memref<128x64xf32, #tpu.memory_space<vmem>>
        %dma_wait3A_211 = arith.constant 0 : i32
        %dma_wait3A_212 = tpu.memref_slice %arg5[%dma_wait3A_207, %dma_wait3A_211] : memref<8x128xi32, #tpu.memory_space<vmem>> -> memref<1x128xi32, #tpu.memory_space<vmem>>
        %dma_wait3A_213 = tpu.memref_squeeze %dma_wait3A_212 : memref<1x128xi32, #tpu.memory_space<vmem>> -> memref<128xi32, #tpu.memory_space<vmem>>
        %dma_wait3A_214 = arith.constant 0 : i32
        %dma_wait3A_215 = arith.constant 0 : i32
        %dma_wait3A_216 = tpu.memref_slice %arg3[%dma_wait3A_214, %dma_wait3A_215] : memref<1000000x64xf32, #tpu.memory_space<hbm>> -> memref<1000000x64xf32, #tpu.memory_space<hbm>>
        tpu.wait_indirect_dma semaphore(%arg12 : memref<!tpu.dma_semaphore, #tpu.memory_space<semaphore_mem>>) src(%dma_wait3A_216 : memref<1000000x64xf32, #tpu.memory_space<hbm>>) dst(%dma_wait3A_210 : memref<128x64xf32, #tpu.memory_space<vmem>>)
        %dma_wait3A_217 = arith.constant 7 : i32
        %dma_wait3A_218 = arith.constant 384 : i32
        %dma_wait3A_219 = arith.constant 0 : i32
        %dma_wait3A_220 = tpu.memref_slice %arg8[%dma_wait3A_218, %dma_wait3A_219] : memref<512x64xf32, #tpu.memory_space<vmem>> -> memref<128x64xf32, #tpu.memory_space<vmem>>
        %dma_wait3A_221 = arith.constant 0 : i32
        %dma_wait3A_222 = tpu.memref_slice %arg5[%dma_wait3A_217, %dma_wait3A_221] : memref<8x128xi32, #tpu.memory_space<vmem>> -> memref<1x128xi32, #tpu.memory_space<vmem>>
        %dma_wait3A_223 = tpu.memref_squeeze %dma_wait3A_222 : memref<1x128xi32, #tpu.memory_space<vmem>> -> memref<128xi32, #tpu.memory_space<vmem>>
        %dma_wait3A_224 = arith.constant 0 : i32
        %dma_wait3A_225 = arith.constant 0 : i32
        %dma_wait3A_226 = tpu.memref_slice %arg3[%dma_wait3A_224, %dma_wait3A_225] : memref<1000000x64xf32, #tpu.memory_space<hbm>> -> memref<1000000x64xf32, #tpu.memory_space<hbm>>
        tpu.wait_indirect_dma semaphore(%arg12 : memref<!tpu.dma_semaphore, #tpu.memory_space<semaphore_mem>>) src(%dma_wait3A_226 : memref<1000000x64xf32, #tpu.memory_space<hbm>>) dst(%dma_wait3A_220 : memref<128x64xf32, #tpu.memory_space<vmem>>)
        %add3A_227 = arith.constant 2 : i32
        %add3A_228 = arith.addi %scan3A_75, %add3A_227 : i32
        %lt3A_229 = arith.constant 25 : i32
        %lt3A_230 = arith.cmpi slt, %add3A_228, %lt3A_229 : i32
        %convert_element_type3A_231 = arith.extui %lt3A_230 : i1 to i32
        %cond3A_232 = arith.constant 0 : i32
        %cond3A_233 = arith.cmpi ne, %convert_element_type3A_231, %cond3A_232 : i32
        scf.if %cond3A_233 {
          %add3A_260 = arith.constant 2 : i32
          %add3A_261 = arith.addi %scan3A_75, %add3A_260 : i32
          %mul3A_262 = arith.constant 8 : i32
          %mul3A_263 = arith.muli %add3A_261, %mul3A_262 : i32
          %add3A_264 = arith.addi %mul3A_4, %mul3A_263 : i32
          %multiple_of3A_265 = tpu.assume_multiple %add3A_264, 8 : i32
          %dma_start3A_266 = arith.constant 0 : i32
          %dma_start3A_267 = tpu.memref_slice %arg2[%multiple_of3A_265, %dma_start3A_266] : memref<6400x128xi32, #tpu.memory_space<hbm>> -> memref<8x128xi32, #tpu.memory_space<hbm>>
          %dma_start3A_268 = arith.constant 0 : i32
          %dma_start3A_269 = tpu.memref_slice %arg2[%multiple_of3A_265, %dma_start3A_268] : memref<6400x128xi32, #tpu.memory_space<hbm>> -> memref<8x128xi32, #tpu.memory_space<hbm>>
          tpu.enqueue_dma source(%dma_start3A_269 : memref<8x128xi32, #tpu.memory_space<hbm>>) target(%arg5 : memref<8x128xi32, #tpu.memory_space<vmem>>) target_semaphore(%arg9 : memref<!tpu.dma_semaphore, #tpu.memory_space<semaphore_mem>>)
        } else {
        }
        %add3A_234 = arith.constant 0 : i32
        %add3A_235 = arith.addi %mul3A_2, %add3A_234 : i32
        %multiple_of3A_236 = tpu.assume_multiple %add3A_235, 512 : i32
        %dma_wait3A_237 = arith.constant 0 : i32
        %dma_wait3A_238 = tpu.memref_slice %arg4[%multiple_of3A_236, %dma_wait3A_237] : memref<819200x64xf32, #tpu.memory_space<hbm>> -> memref<512x64xf32, #tpu.memory_space<hbm>>
        %dma_wait3A_239 = arith.constant 0 : i32
        %dma_wait3A_240 = tpu.memref_slice %arg4[%multiple_of3A_236, %dma_wait3A_239] : memref<819200x64xf32, #tpu.memory_space<hbm>> -> memref<512x64xf32, #tpu.memory_space<hbm>>
        tpu.wait_dma2 semaphore(%arg13 : memref<!tpu.dma_semaphore, #tpu.memory_space<semaphore_mem>>) src(%arg7 : memref<512x64xf32, #tpu.memory_space<vmem>>) dst(%dma_wait3A_240 : memref<512x64xf32, #tpu.memory_space<hbm>>)
        %add3A_241 = arith.constant 1 : i32
        %add3A_242 = arith.addi %scan3A_75, %add3A_241 : i32
        %lt3A_243 = arith.constant 25 : i32
        %lt3A_244 = arith.cmpi slt, %add3A_242, %lt3A_243 : i32
        %convert_element_type3A_245 = arith.extui %lt3A_244 : i1 to i32
        %cond3A_246 = arith.constant 0 : i32
        %cond3A_247 = arith.cmpi ne, %convert_element_type3A_245, %cond3A_246 : i32
        scf.if %cond3A_247 {
          %add3A_260 = arith.constant 1 : i32
          %add3A_261 = arith.addi %scan3A_75, %add3A_260 : i32
          %mul3A_262 = arith.constant 8 : i32
          %mul3A_263 = arith.muli %add3A_261, %mul3A_262 : i32
          %add3A_264 = arith.addi %mul3A_4, %mul3A_263 : i32
          %multiple_of3A_265 = tpu.assume_multiple %add3A_264, 8 : i32
          %dma_wait3A_266 = arith.constant 0 : i32
          %dma_wait3A_267 = tpu.memref_slice %arg2[%multiple_of3A_265, %dma_wait3A_266] : memref<6400x128xi32, #tpu.memory_space<hbm>> -> memref<8x128xi32, #tpu.memory_space<hbm>>
          %dma_wait3A_268 = arith.constant 0 : i32
          %dma_wait3A_269 = tpu.memref_slice %arg2[%multiple_of3A_265, %dma_wait3A_268] : memref<6400x128xi32, #tpu.memory_space<hbm>> -> memref<8x128xi32, #tpu.memory_space<hbm>>
          tpu.wait_dma2 semaphore(%arg10 : memref<!tpu.dma_semaphore, #tpu.memory_space<semaphore_mem>>) src(%dma_wait3A_269 : memref<8x128xi32, #tpu.memory_space<hbm>>) dst(%arg6 : memref<8x128xi32, #tpu.memory_space<vmem>>)
          %dma_start3A_270 = arith.constant 0 : i32
          %dma_start3A_271 = arith.constant 0 : i32
          %dma_start3A_272 = arith.constant 0 : i32
          %dma_start3A_273 = tpu.memref_slice %arg7[%dma_start3A_271, %dma_start3A_272] : memref<512x64xf32, #tpu.memory_space<vmem>> -> memref<128x64xf32, #tpu.memory_space<vmem>>
          %dma_start3A_274 = arith.constant 0 : i32
          %dma_start3A_275 = tpu.memref_slice %arg6[%dma_start3A_270, %dma_start3A_274] : memref<8x128xi32, #tpu.memory_space<vmem>> -> memref<1x128xi32, #tpu.memory_space<vmem>>
          %dma_start3A_276 = tpu.memref_squeeze %dma_start3A_275 : memref<1x128xi32, #tpu.memory_space<vmem>> -> memref<128xi32, #tpu.memory_space<vmem>>
          %dma_start3A_277 = arith.constant 0 : i32
          %dma_start3A_278 = arith.constant 0 : i32
          %dma_start3A_279 = tpu.memref_slice %arg3[%dma_start3A_277, %dma_start3A_278] : memref<1000000x64xf32, #tpu.memory_space<hbm>> -> memref<1000000x64xf32, #tpu.memory_space<hbm>>
          tpu.enqueue_indirect_dma source(%dma_start3A_279 : memref<1000000x64xf32, #tpu.memory_space<hbm>>) target(%dma_start3A_273 : memref<128x64xf32, #tpu.memory_space<vmem>>) offsets(%dma_start3A_276 : memref<128xi32, #tpu.memory_space<vmem>>) semaphore(%arg11 : memref<!tpu.dma_semaphore, #tpu.memory_space<semaphore_mem>>)
          %dma_start3A_280 = arith.constant 1 : i32
          %dma_start3A_281 = arith.constant 128 : i32
          %dma_start3A_282 = arith.constant 0 : i32
          %dma_start3A_283 = tpu.memref_slice %arg7[%dma_start3A_281, %dma_start3A_282] : memref<512x64xf32, #tpu.memory_space<vmem>> -> memref<128x64xf32, #tpu.memory_space<vmem>>
          %dma_start3A_284 = arith.constant 0 : i32
          %dma_start3A_285 = tpu.memref_slice %arg6[%dma_start3A_280, %dma_start3A_284] : memref<8x128xi32, #tpu.memory_space<vmem>> -> memref<1x128xi32, #tpu.memory_space<vmem>>
          %dma_start3A_286 = tpu.memref_squeeze %dma_start3A_285 : memref<1x128xi32, #tpu.memory_space<vmem>> -> memref<128xi32, #tpu.memory_space<vmem>>
          %dma_start3A_287 = arith.constant 0 : i32
          %dma_start3A_288 = arith.constant 0 : i32
          %dma_start3A_289 = tpu.memref_slice %arg3[%dma_start3A_287, %dma_start3A_288] : memref<1000000x64xf32, #tpu.memory_space<hbm>> -> memref<1000000x64xf32, #tpu.memory_space<hbm>>
          tpu.enqueue_indirect_dma source(%dma_start3A_289 : memref<1000000x64xf32, #tpu.memory_space<hbm>>) target(%dma_start3A_283 : memref<128x64xf32, #tpu.memory_space<vmem>>) offsets(%dma_start3A_286 : memref<128xi32, #tpu.memory_space<vmem>>) semaphore(%arg11 : memref<!tpu.dma_semaphore, #tpu.memory_space<semaphore_mem>>)
          %dma_start3A_290 = arith.constant 2 : i32
          %dma_start3A_291 = arith.constant 256 : i32
          %dma_start3A_292 = arith.constant 0 : i32
          %dma_start3A_293 = tpu.memref_slice %arg7[%dma_start3A_291, %dma_start3A_292] : memref<512x64xf32, #tpu.memory_space<vmem>> -> memref<128x64xf32, #tpu.memory_space<vmem>>
          %dma_start3A_294 = arith.constant 0 : i32
          %dma_start3A_295 = tpu.memref_slice %arg6[%dma_start3A_290, %dma_start3A_294] : memref<8x128xi32, #tpu.memory_space<vmem>> -> memref<1x128xi32, #tpu.memory_space<vmem>>
          %dma_start3A_296 = tpu.memref_squeeze %dma_start3A_295 : memref<1x128xi32, #tpu.memory_space<vmem>> -> memref<128xi32, #tpu.memory_space<vmem>>
          %dma_start3A_297 = arith.constant 0 : i32
          %dma_start3A_298 = arith.constant 0 : i32
          %dma_start3A_299 = tpu.memref_slice %arg3[%dma_start3A_297, %dma_start3A_298] : memref<1000000x64xf32, #tpu.memory_space<hbm>> -> memref<1000000x64xf32, #tpu.memory_space<hbm>>
          tpu.enqueue_indirect_dma source(%dma_start3A_299 : memref<1000000x64xf32, #tpu.memory_space<hbm>>) target(%dma_start3A_293 : memref<128x64xf32, #tpu.memory_space<vmem>>) offsets(%dma_start3A_296 : memref<128xi32, #tpu.memory_space<vmem>>) semaphore(%arg11 : memref<!tpu.dma_semaphore, #tpu.memory_space<semaphore_mem>>)
          %dma_start3A_300 = arith.constant 3 : i32
          %dma_start3A_301 = arith.constant 384 : i32
          %dma_start3A_302 = arith.constant 0 : i32
          %dma_start3A_303 = tpu.memref_slice %arg7[%dma_start3A_301, %dma_start3A_302] : memref<512x64xf32, #tpu.memory_space<vmem>> -> memref<128x64xf32, #tpu.memory_space<vmem>>
          %dma_start3A_304 = arith.constant 0 : i32
          %dma_start3A_305 = tpu.memref_slice %arg6[%dma_start3A_300, %dma_start3A_304] : memref<8x128xi32, #tpu.memory_space<vmem>> -> memref<1x128xi32, #tpu.memory_space<vmem>>
          %dma_start3A_306 = tpu.memref_squeeze %dma_start3A_305 : memref<1x128xi32, #tpu.memory_space<vmem>> -> memref<128xi32, #tpu.memory_space<vmem>>
          %dma_start3A_307 = arith.constant 0 : i32
          %dma_start3A_308 = arith.constant 0 : i32
          %dma_start3A_309 = tpu.memref_slice %arg3[%dma_start3A_307, %dma_start3A_308] : memref<1000000x64xf32, #tpu.memory_space<hbm>> -> memref<1000000x64xf32, #tpu.memory_space<hbm>>
          tpu.enqueue_indirect_dma source(%dma_start3A_309 : memref<1000000x64xf32, #tpu.memory_space<hbm>>) target(%dma_start3A_303 : memref<128x64xf32, #tpu.memory_space<vmem>>) offsets(%dma_start3A_306 : memref<128xi32, #tpu.memory_space<vmem>>) semaphore(%arg11 : memref<!tpu.dma_semaphore, #tpu.memory_space<semaphore_mem>>)
        } else {
        }
        %mul3A_248 = arith.constant 2 : i32
        %mul3A_249 = arith.muli %mul3A_248, %scan3A_75 : i32
        %add3A_250 = arith.constant 1 : i32
        %add3A_251 = arith.addi %mul3A_249, %add3A_250 : i32
        %mul3A_252 = arith.constant 512 : i32
        %mul3A_253 = arith.muli %add3A_251, %mul3A_252 : i32
        %add3A_254 = arith.addi %mul3A_2, %mul3A_253 : i32
        %multiple_of3A_255 = tpu.assume_multiple %add3A_254, 512 : i32
        %dma_start3A_256 = arith.constant 0 : i32
        %dma_start3A_257 = tpu.memref_slice %arg4[%multiple_of3A_255, %dma_start3A_256] : memref<819200x64xf32, #tpu.memory_space<hbm>> -> memref<512x64xf32, #tpu.memory_space<hbm>>
        %dma_start3A_258 = arith.constant 0 : i32
        %dma_start3A_259 = tpu.memref_slice %arg4[%multiple_of3A_255, %dma_start3A_258] : memref<819200x64xf32, #tpu.memory_space<hbm>> -> memref<512x64xf32, #tpu.memory_space<hbm>>
        tpu.enqueue_dma source(%arg8 : memref<512x64xf32, #tpu.memory_space<vmem>>) target(%dma_start3A_259 : memref<512x64xf32, #tpu.memory_space<hbm>>) target_semaphore(%arg14 : memref<!tpu.dma_semaphore, #tpu.memory_space<semaphore_mem>>)
      } else {
      }
      %eq3A_88 = arith.constant 1 : i32
      %eq3A_89 = arith.cmpi eq, %select_n3A_84, %eq3A_88 : i32
      %convert_element_type3A_90 = arith.extui %eq3A_89 : i1 to i32
      %cond3A_91 = arith.constant 0 : i32
      %cond3A_92 = arith.cmpi ne, %convert_element_type3A_90, %cond3A_91 : i32
      scf.if %cond3A_92 {
        %dma_wait3A_93 = arith.constant 0 : i32
        %dma_wait3A_94 = arith.constant 0 : i32
        %dma_wait3A_95 = arith.constant 0 : i32
        %dma_wait3A_96 = tpu.memref_slice %arg7[%dma_wait3A_94, %dma_wait3A_95] : memref<512x64xf32, #tpu.memory_space<vmem>> -> memref<128x64xf32, #tpu.memory_space<vmem>>
        %dma_wait3A_97 = arith.constant 0 : i32
        %dma_wait3A_98 = tpu.memref_slice %arg6[%dma_wait3A_93, %dma_wait3A_97] : memref<8x128xi32, #tpu.memory_space<vmem>> -> memref<1x128xi32, #tpu.memory_space<vmem>>
        %dma_wait3A_99 = tpu.memref_squeeze %dma_wait3A_98 : memref<1x128xi32, #tpu.memory_space<vmem>> -> memref<128xi32, #tpu.memory_space<vmem>>
        %dma_wait3A_100 = arith.constant 0 : i32
        %dma_wait3A_101 = arith.constant 0 : i32
        %dma_wait3A_102 = tpu.memref_slice %arg3[%dma_wait3A_100, %dma_wait3A_101] : memref<1000000x64xf32, #tpu.memory_space<hbm>> -> memref<1000000x64xf32, #tpu.memory_space<hbm>>
        tpu.wait_indirect_dma semaphore(%arg11 : memref<!tpu.dma_semaphore, #tpu.memory_space<semaphore_mem>>) src(%dma_wait3A_102 : memref<1000000x64xf32, #tpu.memory_space<hbm>>) dst(%dma_wait3A_96 : memref<128x64xf32, #tpu.memory_space<vmem>>)
        %dma_wait3A_103 = arith.constant 1 : i32
        %dma_wait3A_104 = arith.constant 128 : i32
        %dma_wait3A_105 = arith.constant 0 : i32
        %dma_wait3A_106 = tpu.memref_slice %arg7[%dma_wait3A_104, %dma_wait3A_105] : memref<512x64xf32, #tpu.memory_space<vmem>> -> memref<128x64xf32, #tpu.memory_space<vmem>>
        %dma_wait3A_107 = arith.constant 0 : i32
        %dma_wait3A_108 = tpu.memref_slice %arg6[%dma_wait3A_103, %dma_wait3A_107] : memref<8x128xi32, #tpu.memory_space<vmem>> -> memref<1x128xi32, #tpu.memory_space<vmem>>
        %dma_wait3A_109 = tpu.memref_squeeze %dma_wait3A_108 : memref<1x128xi32, #tpu.memory_space<vmem>> -> memref<128xi32, #tpu.memory_space<vmem>>
        %dma_wait3A_110 = arith.constant 0 : i32
        %dma_wait3A_111 = arith.constant 0 : i32
        %dma_wait3A_112 = tpu.memref_slice %arg3[%dma_wait3A_110, %dma_wait3A_111] : memref<1000000x64xf32, #tpu.memory_space<hbm>> -> memref<1000000x64xf32, #tpu.memory_space<hbm>>
        tpu.wait_indirect_dma semaphore(%arg11 : memref<!tpu.dma_semaphore, #tpu.memory_space<semaphore_mem>>) src(%dma_wait3A_112 : memref<1000000x64xf32, #tpu.memory_space<hbm>>) dst(%dma_wait3A_106 : memref<128x64xf32, #tpu.memory_space<vmem>>)
        %dma_wait3A_113 = arith.constant 2 : i32
        %dma_wait3A_114 = arith.constant 256 : i32
        %dma_wait3A_115 = arith.constant 0 : i32
        %dma_wait3A_116 = tpu.memref_slice %arg7[%dma_wait3A_114, %dma_wait3A_115] : memref<512x64xf32, #tpu.memory_space<vmem>> -> memref<128x64xf32, #tpu.memory_space<vmem>>
        %dma_wait3A_117 = arith.constant 0 : i32
        %dma_wait3A_118 = tpu.memref_slice %arg6[%dma_wait3A_113, %dma_wait3A_117] : memref<8x128xi32, #tpu.memory_space<vmem>> -> memref<1x128xi32, #tpu.memory_space<vmem>>
        %dma_wait3A_119 = tpu.memref_squeeze %dma_wait3A_118 : memref<1x128xi32, #tpu.memory_space<vmem>> -> memref<128xi32, #tpu.memory_space<vmem>>
        %dma_wait3A_120 = arith.constant 0 : i32
        %dma_wait3A_121 = arith.constant 0 : i32
        %dma_wait3A_122 = tpu.memref_slice %arg3[%dma_wait3A_120, %dma_wait3A_121] : memref<1000000x64xf32, #tpu.memory_space<hbm>> -> memref<1000000x64xf32, #tpu.memory_space<hbm>>
        tpu.wait_indirect_dma semaphore(%arg11 : memref<!tpu.dma_semaphore, #tpu.memory_space<semaphore_mem>>) src(%dma_wait3A_122 : memref<1000000x64xf32, #tpu.memory_space<hbm>>) dst(%dma_wait3A_116 : memref<128x64xf32, #tpu.memory_space<vmem>>)
        %dma_wait3A_123 = arith.constant 3 : i32
        %dma_wait3A_124 = arith.constant 384 : i32
        %dma_wait3A_125 = arith.constant 0 : i32
        %dma_wait3A_126 = tpu.memref_slice %arg7[%dma_wait3A_124, %dma_wait3A_125] : memref<512x64xf32, #tpu.memory_space<vmem>> -> memref<128x64xf32, #tpu.memory_space<vmem>>
        %dma_wait3A_127 = arith.constant 0 : i32
        %dma_wait3A_128 = tpu.memref_slice %arg6[%dma_wait3A_123, %dma_wait3A_127] : memref<8x128xi32, #tpu.memory_space<vmem>> -> memref<1x128xi32, #tpu.memory_space<vmem>>
        %dma_wait3A_129 = tpu.memref_squeeze %dma_wait3A_128 : memref<1x128xi32, #tpu.memory_space<vmem>> -> memref<128xi32, #tpu.memory_space<vmem>>
        %dma_wait3A_130 = arith.constant 0 : i32
        %dma_wait3A_131 = arith.constant 0 : i32
        %dma_wait3A_132 = tpu.memref_slice %arg3[%dma_wait3A_130, %dma_wait3A_131] : memref<1000000x64xf32, #tpu.memory_space<hbm>> -> memref<1000000x64xf32, #tpu.memory_space<hbm>>
        tpu.wait_indirect_dma semaphore(%arg11 : memref<!tpu.dma_semaphore, #tpu.memory_space<semaphore_mem>>) src(%dma_wait3A_132 : memref<1000000x64xf32, #tpu.memory_space<hbm>>) dst(%dma_wait3A_126 : memref<128x64xf32, #tpu.memory_space<vmem>>)
        %ge3A = arith.constant 1 : i32
        %ge3A_133 = arith.cmpi sge, %scan3A_75, %ge3A : i32
        %convert_element_type3A_134 = arith.extui %ge3A_133 : i1 to i32
        %cond3A_135 = arith.constant 0 : i32
        %cond3A_136 = arith.cmpi ne, %convert_element_type3A_134, %cond3A_135 : i32
        scf.if %cond3A_136 {
          %add3A_260 = arith.constant 0 : i32
          %add3A_261 = arith.addi %mul3A_2, %add3A_260 : i32
          %multiple_of3A_262 = tpu.assume_multiple %add3A_261, 512 : i32
          %dma_wait3A_263 = arith.constant 0 : i32
          %dma_wait3A_264 = tpu.memref_slice %arg4[%multiple_of3A_262, %dma_wait3A_263] : memref<819200x64xf32, #tpu.memory_space<hbm>> -> memref<512x64xf32, #tpu.memory_space<hbm>>
          %dma_wait3A_265 = arith.constant 0 : i32
          %dma_wait3A_266 = tpu.memref_slice %arg4[%multiple_of3A_262, %dma_wait3A_265] : memref<819200x64xf32, #tpu.memory_space<hbm>> -> memref<512x64xf32, #tpu.memory_space<hbm>>
          tpu.wait_dma2 semaphore(%arg14 : memref<!tpu.dma_semaphore, #tpu.memory_space<semaphore_mem>>) src(%arg8 : memref<512x64xf32, #tpu.memory_space<vmem>>) dst(%dma_wait3A_266 : memref<512x64xf32, #tpu.memory_space<hbm>>)
        } else {
        }
        %dma_start3A_137 = arith.constant 4 : i32
        %dma_start3A_138 = arith.constant 0 : i32
        %dma_start3A_139 = arith.constant 0 : i32
        %dma_start3A_140 = tpu.memref_slice %arg8[%dma_start3A_138, %dma_start3A_139] : memref<512x64xf32, #tpu.memory_space<vmem>> -> memref<128x64xf32, #tpu.memory_space<vmem>>
        %dma_start3A_141 = arith.constant 0 : i32
        %dma_start3A_142 = tpu.memref_slice %arg6[%dma_start3A_137, %dma_start3A_141] : memref<8x128xi32, #tpu.memory_space<vmem>> -> memref<1x128xi32, #tpu.memory_space<vmem>>
        %dma_start3A_143 = tpu.memref_squeeze %dma_start3A_142 : memref<1x128xi32, #tpu.memory_space<vmem>> -> memref<128xi32, #tpu.memory_space<vmem>>
        %dma_start3A_144 = arith.constant 0 : i32
        %dma_start3A_145 = arith.constant 0 : i32
        %dma_start3A_146 = tpu.memref_slice %arg3[%dma_start3A_144, %dma_start3A_145] : memref<1000000x64xf32, #tpu.memory_space<hbm>> -> memref<1000000x64xf32, #tpu.memory_space<hbm>>
        tpu.enqueue_indirect_dma source(%dma_start3A_146 : memref<1000000x64xf32, #tpu.memory_space<hbm>>) target(%dma_start3A_140 : memref<128x64xf32, #tpu.memory_space<vmem>>) offsets(%dma_start3A_143 : memref<128xi32, #tpu.memory_space<vmem>>) semaphore(%arg12 : memref<!tpu.dma_semaphore, #tpu.memory_space<semaphore_mem>>)
        %dma_start3A_147 = arith.constant 5 : i32
        %dma_start3A_148 = arith.constant 128 : i32
        %dma_start3A_149 = arith.constant 0 : i32
        %dma_start3A_150 = tpu.memref_slice %arg8[%dma_start3A_148, %dma_start3A_149] : memref<512x64xf32, #tpu.memory_space<vmem>> -> memref<128x64xf32, #tpu.memory_space<vmem>>
        %dma_start3A_151 = arith.constant 0 : i32
        %dma_start3A_152 = tpu.memref_slice %arg6[%dma_start3A_147, %dma_start3A_151] : memref<8x128xi32, #tpu.memory_space<vmem>> -> memref<1x128xi32, #tpu.memory_space<vmem>>
        %dma_start3A_153 = tpu.memref_squeeze %dma_start3A_152 : memref<1x128xi32, #tpu.memory_space<vmem>> -> memref<128xi32, #tpu.memory_space<vmem>>
        %dma_start3A_154 = arith.constant 0 : i32
        %dma_start3A_155 = arith.constant 0 : i32
        %dma_start3A_156 = tpu.memref_slice %arg3[%dma_start3A_154, %dma_start3A_155] : memref<1000000x64xf32, #tpu.memory_space<hbm>> -> memref<1000000x64xf32, #tpu.memory_space<hbm>>
        tpu.enqueue_indirect_dma source(%dma_start3A_156 : memref<1000000x64xf32, #tpu.memory_space<hbm>>) target(%dma_start3A_150 : memref<128x64xf32, #tpu.memory_space<vmem>>) offsets(%dma_start3A_153 : memref<128xi32, #tpu.memory_space<vmem>>) semaphore(%arg12 : memref<!tpu.dma_semaphore, #tpu.memory_space<semaphore_mem>>)
        %dma_start3A_157 = arith.constant 6 : i32
        %dma_start3A_158 = arith.constant 256 : i32
        %dma_start3A_159 = arith.constant 0 : i32
        %dma_start3A_160 = tpu.memref_slice %arg8[%dma_start3A_158, %dma_start3A_159] : memref<512x64xf32, #tpu.memory_space<vmem>> -> memref<128x64xf32, #tpu.memory_space<vmem>>
        %dma_start3A_161 = arith.constant 0 : i32
        %dma_start3A_162 = tpu.memref_slice %arg6[%dma_start3A_157, %dma_start3A_161] : memref<8x128xi32, #tpu.memory_space<vmem>> -> memref<1x128xi32, #tpu.memory_space<vmem>>
        %dma_start3A_163 = tpu.memref_squeeze %dma_start3A_162 : memref<1x128xi32, #tpu.memory_space<vmem>> -> memref<128xi32, #tpu.memory_space<vmem>>
        %dma_start3A_164 = arith.constant 0 : i32
        %dma_start3A_165 = arith.constant 0 : i32
        %dma_start3A_166 = tpu.memref_slice %arg3[%dma_start3A_164, %dma_start3A_165] : memref<1000000x64xf32, #tpu.memory_space<hbm>> -> memref<1000000x64xf32, #tpu.memory_space<hbm>>
        tpu.enqueue_indirect_dma source(%dma_start3A_166 : memref<1000000x64xf32, #tpu.memory_space<hbm>>) target(%dma_start3A_160 : memref<128x64xf32, #tpu.memory_space<vmem>>) offsets(%dma_start3A_163 : memref<128xi32, #tpu.memory_space<vmem>>) semaphore(%arg12 : memref<!tpu.dma_semaphore, #tpu.memory_space<semaphore_mem>>)
        %dma_start3A_167 = arith.constant 7 : i32
        %dma_start3A_168 = arith.constant 384 : i32
        %dma_start3A_169 = arith.constant 0 : i32
        %dma_start3A_170 = tpu.memref_slice %arg8[%dma_start3A_168, %dma_start3A_169] : memref<512x64xf32, #tpu.memory_space<vmem>> -> memref<128x64xf32, #tpu.memory_space<vmem>>
        %dma_start3A_171 = arith.constant 0 : i32
        %dma_start3A_172 = tpu.memref_slice %arg6[%dma_start3A_167, %dma_start3A_171] : memref<8x128xi32, #tpu.memory_space<vmem>> -> memref<1x128xi32, #tpu.memory_space<vmem>>
        %dma_start3A_173 = tpu.memref_squeeze %dma_start3A_172 : memref<1x128xi32, #tpu.memory_space<vmem>> -> memref<128xi32, #tpu.memory_space<vmem>>
        %dma_start3A_174 = arith.constant 0 : i32
        %dma_start3A_175 = arith.constant 0 : i32
        %dma_start3A_176 = tpu.memref_slice %arg3[%dma_start3A_174, %dma_start3A_175] : memref<1000000x64xf32, #tpu.memory_space<hbm>> -> memref<1000000x64xf32, #tpu.memory_space<hbm>>
        tpu.enqueue_indirect_dma source(%dma_start3A_176 : memref<1000000x64xf32, #tpu.memory_space<hbm>>) target(%dma_start3A_170 : memref<128x64xf32, #tpu.memory_space<vmem>>) offsets(%dma_start3A_173 : memref<128xi32, #tpu.memory_space<vmem>>) semaphore(%arg12 : memref<!tpu.dma_semaphore, #tpu.memory_space<semaphore_mem>>)
        %mul3A_177 = arith.constant 2 : i32
        %mul3A_178 = arith.muli %mul3A_177, %scan3A_75 : i32
        %mul3A_179 = arith.constant 512 : i32
        %mul3A_180 = arith.muli %mul3A_178, %mul3A_179 : i32
        %add3A_181 = arith.addi %mul3A_2, %mul3A_180 : i32
        %multiple_of3A_182 = tpu.assume_multiple %add3A_181, 512 : i32
        %dma_start3A_183 = arith.constant 0 : i32
        %dma_start3A_184 = tpu.memref_slice %arg4[%multiple_of3A_182, %dma_start3A_183] : memref<819200x64xf32, #tpu.memory_space<hbm>> -> memref<512x64xf32, #tpu.memory_space<hbm>>
        %dma_start3A_185 = arith.constant 0 : i32
        %dma_start3A_186 = tpu.memref_slice %arg4[%multiple_of3A_182, %dma_start3A_185] : memref<819200x64xf32, #tpu.memory_space<hbm>> -> memref<512x64xf32, #tpu.memory_space<hbm>>
        tpu.enqueue_dma source(%arg7 : memref<512x64xf32, #tpu.memory_space<vmem>>) target(%dma_start3A_186 : memref<512x64xf32, #tpu.memory_space<hbm>>) target_semaphore(%arg13 : memref<!tpu.dma_semaphore, #tpu.memory_space<semaphore_mem>>)
        %dma_wait3A_187 = arith.constant 4 : i32
        %dma_wait3A_188 = arith.constant 0 : i32
        %dma_wait3A_189 = arith.constant 0 : i32
        %dma_wait3A_190 = tpu.memref_slice %arg8[%dma_wait3A_188, %dma_wait3A_189] : memref<512x64xf32, #tpu.memory_space<vmem>> -> memref<128x64xf32, #tpu.memory_space<vmem>>
        %dma_wait3A_191 = arith.constant 0 : i32
        %dma_wait3A_192 = tpu.memref_slice %arg6[%dma_wait3A_187, %dma_wait3A_191] : memref<8x128xi32, #tpu.memory_space<vmem>> -> memref<1x128xi32, #tpu.memory_space<vmem>>
        %dma_wait3A_193 = tpu.memref_squeeze %dma_wait3A_192 : memref<1x128xi32, #tpu.memory_space<vmem>> -> memref<128xi32, #tpu.memory_space<vmem>>
        %dma_wait3A_194 = arith.constant 0 : i32
        %dma_wait3A_195 = arith.constant 0 : i32
        %dma_wait3A_196 = tpu.memref_slice %arg3[%dma_wait3A_194, %dma_wait3A_195] : memref<1000000x64xf32, #tpu.memory_space<hbm>> -> memref<1000000x64xf32, #tpu.memory_space<hbm>>
        tpu.wait_indirect_dma semaphore(%arg12 : memref<!tpu.dma_semaphore, #tpu.memory_space<semaphore_mem>>) src(%dma_wait3A_196 : memref<1000000x64xf32, #tpu.memory_space<hbm>>) dst(%dma_wait3A_190 : memref<128x64xf32, #tpu.memory_space<vmem>>)
        %dma_wait3A_197 = arith.constant 5 : i32
        %dma_wait3A_198 = arith.constant 128 : i32
        %dma_wait3A_199 = arith.constant 0 : i32
        %dma_wait3A_200 = tpu.memref_slice %arg8[%dma_wait3A_198, %dma_wait3A_199] : memref<512x64xf32, #tpu.memory_space<vmem>> -> memref<128x64xf32, #tpu.memory_space<vmem>>
        %dma_wait3A_201 = arith.constant 0 : i32
        %dma_wait3A_202 = tpu.memref_slice %arg6[%dma_wait3A_197, %dma_wait3A_201] : memref<8x128xi32, #tpu.memory_space<vmem>> -> memref<1x128xi32, #tpu.memory_space<vmem>>
        %dma_wait3A_203 = tpu.memref_squeeze %dma_wait3A_202 : memref<1x128xi32, #tpu.memory_space<vmem>> -> memref<128xi32, #tpu.memory_space<vmem>>
        %dma_wait3A_204 = arith.constant 0 : i32
        %dma_wait3A_205 = arith.constant 0 : i32
        %dma_wait3A_206 = tpu.memref_slice %arg3[%dma_wait3A_204, %dma_wait3A_205] : memref<1000000x64xf32, #tpu.memory_space<hbm>> -> memref<1000000x64xf32, #tpu.memory_space<hbm>>
        tpu.wait_indirect_dma semaphore(%arg12 : memref<!tpu.dma_semaphore, #tpu.memory_space<semaphore_mem>>) src(%dma_wait3A_206 : memref<1000000x64xf32, #tpu.memory_space<hbm>>) dst(%dma_wait3A_200 : memref<128x64xf32, #tpu.memory_space<vmem>>)
        %dma_wait3A_207 = arith.constant 6 : i32
        %dma_wait3A_208 = arith.constant 256 : i32
        %dma_wait3A_209 = arith.constant 0 : i32
        %dma_wait3A_210 = tpu.memref_slice %arg8[%dma_wait3A_208, %dma_wait3A_209] : memref<512x64xf32, #tpu.memory_space<vmem>> -> memref<128x64xf32, #tpu.memory_space<vmem>>
        %dma_wait3A_211 = arith.constant 0 : i32
        %dma_wait3A_212 = tpu.memref_slice %arg6[%dma_wait3A_207, %dma_wait3A_211] : memref<8x128xi32, #tpu.memory_space<vmem>> -> memref<1x128xi32, #tpu.memory_space<vmem>>
        %dma_wait3A_213 = tpu.memref_squeeze %dma_wait3A_212 : memref<1x128xi32, #tpu.memory_space<vmem>> -> memref<128xi32, #tpu.memory_space<vmem>>
        %dma_wait3A_214 = arith.constant 0 : i32
        %dma_wait3A_215 = arith.constant 0 : i32
        %dma_wait3A_216 = tpu.memref_slice %arg3[%dma_wait3A_214, %dma_wait3A_215] : memref<1000000x64xf32, #tpu.memory_space<hbm>> -> memref<1000000x64xf32, #tpu.memory_space<hbm>>
        tpu.wait_indirect_dma semaphore(%arg12 : memref<!tpu.dma_semaphore, #tpu.memory_space<semaphore_mem>>) src(%dma_wait3A_216 : memref<1000000x64xf32, #tpu.memory_space<hbm>>) dst(%dma_wait3A_210 : memref<128x64xf32, #tpu.memory_space<vmem>>)
        %dma_wait3A_217 = arith.constant 7 : i32
        %dma_wait3A_218 = arith.constant 384 : i32
        %dma_wait3A_219 = arith.constant 0 : i32
        %dma_wait3A_220 = tpu.memref_slice %arg8[%dma_wait3A_218, %dma_wait3A_219] : memref<512x64xf32, #tpu.memory_space<vmem>> -> memref<128x64xf32, #tpu.memory_space<vmem>>
        %dma_wait3A_221 = arith.constant 0 : i32
        %dma_wait3A_222 = tpu.memref_slice %arg6[%dma_wait3A_217, %dma_wait3A_221] : memref<8x128xi32, #tpu.memory_space<vmem>> -> memref<1x128xi32, #tpu.memory_space<vmem>>
        %dma_wait3A_223 = tpu.memref_squeeze %dma_wait3A_222 : memref<1x128xi32, #tpu.memory_space<vmem>> -> memref<128xi32, #tpu.memory_space<vmem>>
        %dma_wait3A_224 = arith.constant 0 : i32
        %dma_wait3A_225 = arith.constant 0 : i32
        %dma_wait3A_226 = tpu.memref_slice %arg3[%dma_wait3A_224, %dma_wait3A_225] : memref<1000000x64xf32, #tpu.memory_space<hbm>> -> memref<1000000x64xf32, #tpu.memory_space<hbm>>
        tpu.wait_indirect_dma semaphore(%arg12 : memref<!tpu.dma_semaphore, #tpu.memory_space<semaphore_mem>>) src(%dma_wait3A_226 : memref<1000000x64xf32, #tpu.memory_space<hbm>>) dst(%dma_wait3A_220 : memref<128x64xf32, #tpu.memory_space<vmem>>)
        %add3A_227 = arith.constant 2 : i32
        %add3A_228 = arith.addi %scan3A_75, %add3A_227 : i32
        %lt3A_229 = arith.constant 25 : i32
        %lt3A_230 = arith.cmpi slt, %add3A_228, %lt3A_229 : i32
        %convert_element_type3A_231 = arith.extui %lt3A_230 : i1 to i32
        %cond3A_232 = arith.constant 0 : i32
        %cond3A_233 = arith.cmpi ne, %convert_element_type3A_231, %cond3A_232 : i32
        scf.if %cond3A_233 {
          %add3A_260 = arith.constant 2 : i32
          %add3A_261 = arith.addi %scan3A_75, %add3A_260 : i32
          %mul3A_262 = arith.constant 8 : i32
          %mul3A_263 = arith.muli %add3A_261, %mul3A_262 : i32
          %add3A_264 = arith.addi %mul3A_4, %mul3A_263 : i32
          %multiple_of3A_265 = tpu.assume_multiple %add3A_264, 8 : i32
          %dma_start3A_266 = arith.constant 0 : i32
          %dma_start3A_267 = tpu.memref_slice %arg2[%multiple_of3A_265, %dma_start3A_266] : memref<6400x128xi32, #tpu.memory_space<hbm>> -> memref<8x128xi32, #tpu.memory_space<hbm>>
          %dma_start3A_268 = arith.constant 0 : i32
          %dma_start3A_269 = tpu.memref_slice %arg2[%multiple_of3A_265, %dma_start3A_268] : memref<6400x128xi32, #tpu.memory_space<hbm>> -> memref<8x128xi32, #tpu.memory_space<hbm>>
          tpu.enqueue_dma source(%dma_start3A_269 : memref<8x128xi32, #tpu.memory_space<hbm>>) target(%arg6 : memref<8x128xi32, #tpu.memory_space<vmem>>) target_semaphore(%arg10 : memref<!tpu.dma_semaphore, #tpu.memory_space<semaphore_mem>>)
        } else {
        }
        %add3A_234 = arith.constant 0 : i32
        %add3A_235 = arith.addi %mul3A_2, %add3A_234 : i32
        %multiple_of3A_236 = tpu.assume_multiple %add3A_235, 512 : i32
        %dma_wait3A_237 = arith.constant 0 : i32
        %dma_wait3A_238 = tpu.memref_slice %arg4[%multiple_of3A_236, %dma_wait3A_237] : memref<819200x64xf32, #tpu.memory_space<hbm>> -> memref<512x64xf32, #tpu.memory_space<hbm>>
        %dma_wait3A_239 = arith.constant 0 : i32
        %dma_wait3A_240 = tpu.memref_slice %arg4[%multiple_of3A_236, %dma_wait3A_239] : memref<819200x64xf32, #tpu.memory_space<hbm>> -> memref<512x64xf32, #tpu.memory_space<hbm>>
        tpu.wait_dma2 semaphore(%arg13 : memref<!tpu.dma_semaphore, #tpu.memory_space<semaphore_mem>>) src(%arg7 : memref<512x64xf32, #tpu.memory_space<vmem>>) dst(%dma_wait3A_240 : memref<512x64xf32, #tpu.memory_space<hbm>>)
        %add3A_241 = arith.constant 1 : i32
        %add3A_242 = arith.addi %scan3A_75, %add3A_241 : i32
        %lt3A_243 = arith.constant 25 : i32
        %lt3A_244 = arith.cmpi slt, %add3A_242, %lt3A_243 : i32
        %convert_element_type3A_245 = arith.extui %lt3A_244 : i1 to i32
        %cond3A_246 = arith.constant 0 : i32
        %cond3A_247 = arith.cmpi ne, %convert_element_type3A_245, %cond3A_246 : i32
        scf.if %cond3A_247 {
          %add3A_260 = arith.constant 1 : i32
          %add3A_261 = arith.addi %scan3A_75, %add3A_260 : i32
          %mul3A_262 = arith.constant 8 : i32
          %mul3A_263 = arith.muli %add3A_261, %mul3A_262 : i32
          %add3A_264 = arith.addi %mul3A_4, %mul3A_263 : i32
          %multiple_of3A_265 = tpu.assume_multiple %add3A_264, 8 : i32
          %dma_wait3A_266 = arith.constant 0 : i32
          %dma_wait3A_267 = tpu.memref_slice %arg2[%multiple_of3A_265, %dma_wait3A_266] : memref<6400x128xi32, #tpu.memory_space<hbm>> -> memref<8x128xi32, #tpu.memory_space<hbm>>
          %dma_wait3A_268 = arith.constant 0 : i32
          %dma_wait3A_269 = tpu.memref_slice %arg2[%multiple_of3A_265, %dma_wait3A_268] : memref<6400x128xi32, #tpu.memory_space<hbm>> -> memref<8x128xi32, #tpu.memory_space<hbm>>
          tpu.wait_dma2 semaphore(%arg9 : memref<!tpu.dma_semaphore, #tpu.memory_space<semaphore_mem>>) src(%dma_wait3A_269 : memref<8x128xi32, #tpu.memory_space<hbm>>) dst(%arg5 : memref<8x128xi32, #tpu.memory_space<vmem>>)
          %dma_start3A_270 = arith.constant 0 : i32
          %dma_start3A_271 = arith.constant 0 : i32
          %dma_start3A_272 = arith.constant 0 : i32
          %dma_start3A_273 = tpu.memref_slice %arg7[%dma_start3A_271, %dma_start3A_272] : memref<512x64xf32, #tpu.memory_space<vmem>> -> memref<128x64xf32, #tpu.memory_space<vmem>>
          %dma_start3A_274 = arith.constant 0 : i32
          %dma_start3A_275 = tpu.memref_slice %arg5[%dma_start3A_270, %dma_start3A_274] : memref<8x128xi32, #tpu.memory_space<vmem>> -> memref<1x128xi32, #tpu.memory_space<vmem>>
          %dma_start3A_276 = tpu.memref_squeeze %dma_start3A_275 : memref<1x128xi32, #tpu.memory_space<vmem>> -> memref<128xi32, #tpu.memory_space<vmem>>
          %dma_start3A_277 = arith.constant 0 : i32
          %dma_start3A_278 = arith.constant 0 : i32
          %dma_start3A_279 = tpu.memref_slice %arg3[%dma_start3A_277, %dma_start3A_278] : memref<1000000x64xf32, #tpu.memory_space<hbm>> -> memref<1000000x64xf32, #tpu.memory_space<hbm>>
          tpu.enqueue_indirect_dma source(%dma_start3A_279 : memref<1000000x64xf32, #tpu.memory_space<hbm>>) target(%dma_start3A_273 : memref<128x64xf32, #tpu.memory_space<vmem>>) offsets(%dma_start3A_276 : memref<128xi32, #tpu.memory_space<vmem>>) semaphore(%arg11 : memref<!tpu.dma_semaphore, #tpu.memory_space<semaphore_mem>>)
          %dma_start3A_280 = arith.constant 1 : i32
          %dma_start3A_281 = arith.constant 128 : i32
          %dma_start3A_282 = arith.constant 0 : i32
          %dma_start3A_283 = tpu.memref_slice %arg7[%dma_start3A_281, %dma_start3A_282] : memref<512x64xf32, #tpu.memory_space<vmem>> -> memref<128x64xf32, #tpu.memory_space<vmem>>
          %dma_start3A_284 = arith.constant 0 : i32
          %dma_start3A_285 = tpu.memref_slice %arg5[%dma_start3A_280, %dma_start3A_284] : memref<8x128xi32, #tpu.memory_space<vmem>> -> memref<1x128xi32, #tpu.memory_space<vmem>>
          %dma_start3A_286 = tpu.memref_squeeze %dma_start3A_285 : memref<1x128xi32, #tpu.memory_space<vmem>> -> memref<128xi32, #tpu.memory_space<vmem>>
          %dma_start3A_287 = arith.constant 0 : i32
          %dma_start3A_288 = arith.constant 0 : i32
          %dma_start3A_289 = tpu.memref_slice %arg3[%dma_start3A_287, %dma_start3A_288] : memref<1000000x64xf32, #tpu.memory_space<hbm>> -> memref<1000000x64xf32, #tpu.memory_space<hbm>>
          tpu.enqueue_indirect_dma source(%dma_start3A_289 : memref<1000000x64xf32, #tpu.memory_space<hbm>>) target(%dma_start3A_283 : memref<128x64xf32, #tpu.memory_space<vmem>>) offsets(%dma_start3A_286 : memref<128xi32, #tpu.memory_space<vmem>>) semaphore(%arg11 : memref<!tpu.dma_semaphore, #tpu.memory_space<semaphore_mem>>)
          %dma_start3A_290 = arith.constant 2 : i32
          %dma_start3A_291 = arith.constant 256 : i32
          %dma_start3A_292 = arith.constant 0 : i32
          %dma_start3A_293 = tpu.memref_slice %arg7[%dma_start3A_291, %dma_start3A_292] : memref<512x64xf32, #tpu.memory_space<vmem>> -> memref<128x64xf32, #tpu.memory_space<vmem>>
          %dma_start3A_294 = arith.constant 0 : i32
          %dma_start3A_295 = tpu.memref_slice %arg5[%dma_start3A_290, %dma_start3A_294] : memref<8x128xi32, #tpu.memory_space<vmem>> -> memref<1x128xi32, #tpu.memory_space<vmem>>
          %dma_start3A_296 = tpu.memref_squeeze %dma_start3A_295 : memref<1x128xi32, #tpu.memory_space<vmem>> -> memref<128xi32, #tpu.memory_space<vmem>>
          %dma_start3A_297 = arith.constant 0 : i32
          %dma_start3A_298 = arith.constant 0 : i32
          %dma_start3A_299 = tpu.memref_slice %arg3[%dma_start3A_297, %dma_start3A_298] : memref<1000000x64xf32, #tpu.memory_space<hbm>> -> memref<1000000x64xf32, #tpu.memory_space<hbm>>
          tpu.enqueue_indirect_dma source(%dma_start3A_299 : memref<1000000x64xf32, #tpu.memory_space<hbm>>) target(%dma_start3A_293 : memref<128x64xf32, #tpu.memory_space<vmem>>) offsets(%dma_start3A_296 : memref<128xi32, #tpu.memory_space<vmem>>) semaphore(%arg11 : memref<!tpu.dma_semaphore, #tpu.memory_space<semaphore_mem>>)
          %dma_start3A_300 = arith.constant 3 : i32
          %dma_start3A_301 = arith.constant 384 : i32
          %dma_start3A_302 = arith.constant 0 : i32
          %dma_start3A_303 = tpu.memref_slice %arg7[%dma_start3A_301, %dma_start3A_302] : memref<512x64xf32, #tpu.memory_space<vmem>> -> memref<128x64xf32, #tpu.memory_space<vmem>>
          %dma_start3A_304 = arith.constant 0 : i32
          %dma_start3A_305 = tpu.memref_slice %arg5[%dma_start3A_300, %dma_start3A_304] : memref<8x128xi32, #tpu.memory_space<vmem>> -> memref<1x128xi32, #tpu.memory_space<vmem>>
          %dma_start3A_306 = tpu.memref_squeeze %dma_start3A_305 : memref<1x128xi32, #tpu.memory_space<vmem>> -> memref<128xi32, #tpu.memory_space<vmem>>
          %dma_start3A_307 = arith.constant 0 : i32
          %dma_start3A_308 = arith.constant 0 : i32
          %dma_start3A_309 = tpu.memref_slice %arg3[%dma_start3A_307, %dma_start3A_308] : memref<1000000x64xf32, #tpu.memory_space<hbm>> -> memref<1000000x64xf32, #tpu.memory_space<hbm>>
          tpu.enqueue_indirect_dma source(%dma_start3A_309 : memref<1000000x64xf32, #tpu.memory_space<hbm>>) target(%dma_start3A_303 : memref<128x64xf32, #tpu.memory_space<vmem>>) offsets(%dma_start3A_306 : memref<128xi32, #tpu.memory_space<vmem>>) semaphore(%arg11 : memref<!tpu.dma_semaphore, #tpu.memory_space<semaphore_mem>>)
        } else {
        }
        %mul3A_248 = arith.constant 2 : i32
        %mul3A_249 = arith.muli %mul3A_248, %scan3A_75 : i32
        %add3A_250 = arith.constant 1 : i32
        %add3A_251 = arith.addi %mul3A_249, %add3A_250 : i32
        %mul3A_252 = arith.constant 512 : i32
        %mul3A_253 = arith.muli %add3A_251, %mul3A_252 : i32
        %add3A_254 = arith.addi %mul3A_2, %mul3A_253 : i32
        %multiple_of3A_255 = tpu.assume_multiple %add3A_254, 512 : i32
        %dma_start3A_256 = arith.constant 0 : i32
        %dma_start3A_257 = tpu.memref_slice %arg4[%multiple_of3A_255, %dma_start3A_256] : memref<819200x64xf32, #tpu.memory_space<hbm>> -> memref<512x64xf32, #tpu.memory_space<hbm>>
        %dma_start3A_258 = arith.constant 0 : i32
        %dma_start3A_259 = tpu.memref_slice %arg4[%multiple_of3A_255, %dma_start3A_258] : memref<819200x64xf32, #tpu.memory_space<hbm>> -> memref<512x64xf32, #tpu.memory_space<hbm>>
        tpu.enqueue_dma source(%arg8 : memref<512x64xf32, #tpu.memory_space<vmem>>) target(%dma_start3A_259 : memref<512x64xf32, #tpu.memory_space<hbm>>) target_semaphore(%arg14 : memref<!tpu.dma_semaphore, #tpu.memory_space<semaphore_mem>>)
      } else {
      }
    }
    %scan3A_67 = arith.constant 25 : i32
    %add3A_68 = arith.constant 0 : i32
    %add3A_69 = arith.addi %mul3A_2, %add3A_68 : i32
    %multiple_of3A_70 = tpu.assume_multiple %add3A_69, 512 : i32
    %dma_wait3A_71 = arith.constant 0 : i32
    %dma_wait3A_72 = tpu.memref_slice %arg4[%multiple_of3A_70, %dma_wait3A_71] : memref<819200x64xf32, #tpu.memory_space<hbm>> -> memref<512x64xf32, #tpu.memory_space<hbm>>
    %dma_wait3A_73 = arith.constant 0 : i32
    %dma_wait3A_74 = tpu.memref_slice %arg4[%multiple_of3A_70, %dma_wait3A_73] : memref<819200x64xf32, #tpu.memory_space<hbm>> -> memref<512x64xf32, #tpu.memory_space<hbm>>
    tpu.wait_dma2 semaphore(%arg14 : memref<!tpu.dma_semaphore, #tpu.memory_space<semaphore_mem>>) src(%arg8 : memref<512x64xf32, #tpu.memory_space<vmem>>) dst(%dma_wait3A_74 : memref<512x64xf32, #tpu.memory_space<hbm>>)
    return
  }
}

</mosaic_0001>

<sc_bundles>
// kernel: kernel.3.cloned.1.call-start
scs
__scs_entry_jumppad:
0x0: {  	(pc) =	sbr.rel $0x88, $3  }
0x1: {  	(tag) =	ssettag $0x0;
	lr =	simm.s32 $0x1  }
0x2: {  	[smem:$0x3F9F] =	sst lr;
	_ =	strace $0xD0000000  }
0x3: {  	_ = 	snop  }
0x4: {  	_ = 	snop  }
0x5: {  	_ = 	snop  }
0x6: {  	_ = 	snop  }
0x7: {  	_ = 	snop  }
__scs_overlays_trampoline_lowered:
0x8: {  	[smem:$0x3FAE] =	sst s0  }
0x9: {  	[smem:$0x3FAF] =	sst s1  }
0xa: {  	[smem:$0x3FB0] =	sst s2  }
0xb: {  	[smem:$0x3FB1] =	sst s3  }
0xc: {  	[smem:$0x3FB2] =	sst s4  }
0xd: {  	[smem:$0x3FB3] =	sst s5  }
0xe: {  	[smem:$0x3FB4] =	sst s6  }
0xf: {  	[smem:$0x3FB5] =	sst s7  }
0x10: {  	[smem:$0x3FB6] =	sst s8  }
0x11: {  	[smem:$0x3FB7] =	sst s9;
	s0 =	simm.s32 @!p0 $0x0  }
0x12: {  	s1 =	sld [smem:$0x3F9D];
	s0 =	simm.s32 @p0 $0x1  }
0x13: {  	[smem:$0x3FB8] =	sst s0;
	s0 =	simm.s32 @!p1 $0x0  }
0x14: {  	s2 =	sld [smem:$0x3F9C];
	s0 =	simm.s32 @p1 $0x1  }
0x15: {  	[smem:$0x3FB9] =	sst s0;
	s0 =	simm.s32 @!p2 $0x0  }
0x16: {  	s3 =	sld [smem:$0x3FDB];
	s0 =	simm.s32 @p2 $0x1  }
0x17: {  	s4 =	simm.s32 $0x1BF5;
	[smem:$0x3FBB] =	sst s0  }
0x18: {  	s0 =	sld [smem:$0x3F9E];
	_ =	swait.ge [sflag:s4], $0x0  }
0x19: {  	s7 =	sld [smem:$0x3F9F]  }
0x1a: {  	s8 =	sadd.s32 $0xFFFFE003, lr  }
0x1b: {  	s9 =	sadd.s32 $0xFFFFFEF7, lr;
	s5 =	simm.s32 $0xFFFFFFFF;
	p2 =	slt.u32 s8, $0xFFFFF086  }
0x1c: {  	p1 =	slt.u32 s9, $0xF7A;
	s5 =	simm.s32 @!p2 $0x0  }
0x1d: {  	s5 =	simm.s32 @p1 $0x1;
	p0 =	seq.s32 s7, s2  }
0x1e: {  	s7 =	smul.u32 @!p0 $0xF7A, s2;
	p2 =	seq.s32 @!p0 s5, $0x0  }
0x1f: {  	s9 =	smul.u32 $0xF7A, s1;
	s8 =	simm.s32 @!p0 $0x1BF5;
	p2 =	por !p2, p0  }
0x20: {  	[sflag:s8] =	ssyncset.s32 @!p0 $0xFFFFF086;
	s6 =	sadd.s32 @!p0 s3, s7;
	s7 =	simm.s32 @!p0 $0x108  }
0x21: {  	s3 =	sadd.s32 s3, s9;
	s6 =	sadd.s32 @!p0 $0x88, s6;
	s7 =	simm.s32 @p2 $0x1082  }
0x22: {  	[simem:s7], [sflag:s8] =	dma.local @!p0 [hbm:s6], $0xF7A  }
0x23: {  	s9 =	sor.u32 $0xD0000000, s2;
	s6 =	simm.s32 $0x108;
	_ =	swait.ge @!p0 [sflag:s8], $0x0  }
0x24: {  	s3 =	sadd.s32 $0x88, s3;
	s6 =	simm.s32 @!p1 $0x1082;
	[sflag:s4] =	ssyncset.s32 $0xFFFFF086  }
0x25: {  	[simem:s6], [sflag:s4] =	dma.local [hbm:s3], $0xF7A  }
0x26: {  	[smem:$0x3F9F] =	sst s1;
	(tag) =	ssettag s2;
	_ =	strace s9  }
0x27: {  	s1 =	sld [smem:$0x3FAF]  }
0x28: {  	s2 =	sld [smem:$0x3FB0]  }
0x29: {  	s4 =	sld [smem:$0x3FB2]  }
0x2a: {  	p0 =	seq.s32 s5, $0x0;
	s5 =	sld [smem:$0x3FB3]  }
0x2b: {  	s6 =	sld [smem:$0x3FB4]  }
0x2c: {  	s7 =	sld [smem:$0x3FB5]  }
0x2d: {  	s3 =	simm.s32 $0x108;
	s8 =	sld [smem:$0x3FB6]  }
0x2e: {  	s3 =	simm.s32 @!p0 $0x1082;
	s9 =	sld [smem:$0x3FB7]  }
0x2f: {  	lr =	sadd.s32 s0, s3;
	s0 =	sld [smem:$0x3FAE]  }
0x30: {  	s3 =	sld [smem:$0x3FB1]  }
0x31: {  	[smem:$0x3FBA] =	sst s10  }
0x32: {  	s10 =	sld [smem:$0x3FB8];
	_ =	sdelay $0x3  }
0x33: {  	p0 =	seq.s32 s10, $0x1;
	s10 =	sld [smem:$0x3FBA];
	_ =	sdelay $0x3  }
0x34: {  	[smem:$0x3FBA] =	sst s10  }
0x35: {  	s10 =	sld [smem:$0x3FB9];
	_ =	sdelay $0x3  }
0x36: {  	p1 =	seq.s32 s10, $0x1;
	s10 =	sld [smem:$0x3FBA];
	_ =	sdelay $0x3  }
0x37: {  	[smem:$0x3FBA] =	sst s10  }
0x38: {  	s10 =	sld [smem:$0x3FBB]  }
0x39: {  	_ = 	snop;
	(pc) =	sbr.ind lr, $3  }
0x3a: {  	_ = 	snop  }
0x3b: {  	_ = 	snop  }
0x3c: {  	p2 =	seq.s32 s10, $0x1;
	s10 =	sld [smem:$0x3FBA]  }
0x3d: {  	_ =	shalt  }
0x3e: {  	_ =	shalt  }
0x3f: {  	_ =	shalt  }
0x40: {  	_ =	shalt  }
0x41: {  	_ =	shalt  }
0x42: {  	_ =	shalt  }
0x43: {  	_ =	shalt  }
0x44: {  	_ =	shalt  }
0x45: {  	_ =	shalt  }
0x46: {  	_ =	shalt  }
0x47: {  	_ =	shalt  }
0x48: {  	_ =	shalt  }
0x49: {  	_ =	shalt  }
0x4a: {  	_ =	shalt  }
0x4b: {  	_ =	shalt  }
0x4c: {  	_ =	shalt  }
0x4d: {  	_ =	shalt  }
0x4e: {  	_ =	shalt  }
0x4f: {  	_ =	shalt  }
0x50: {  	_ =	shalt  }
0x51: {  	_ =	shalt  }
0x52: {  	_ =	shalt  }
0x53: {  	_ =	shalt  }
0x54: {  	_ =	shalt  }
0x55: {  	_ =	shalt  }
0x56: {  	_ =	shalt  }
0x57: {  	_ =	shalt  }
0x58: {  	_ =	shalt  }
0x59: {  	_ =	shalt  }
0x5a: {  	_ =	shalt  }
0x5b: {  	_ =	shalt  }
0x5c: {  	_ =	shalt  }
0x5d: {  	_ =	shalt  }
0x5e: {  	_ =	shalt  }
0x5f: {  	_ =	shalt  }
0x60: {  	_ =	shalt  }
0x61: {  	_ =	shalt  }
0x62: {  	_ =	shalt  }
0x63: {  	_ =	shalt  }
0x64: {  	_ =	shalt  }
0x65: {  	_ =	shalt  }
0x66: {  	_ =	shalt  }
0x67: {  	_ =	shalt  }
0x68: {  	_ =	shalt  }
0x69: {  	_ =	shalt  }
0x6a: {  	_ =	shalt  }
0x6b: {  	_ =	shalt  }
0x6c: {  	_ =	shalt  }
0x6d: {  	_ =	shalt  }
0x6e: {  	_ =	shalt  }
0x6f: {  	_ =	shalt  }
0x70: {  	_ =	shalt  }
0x71: {  	_ =	shalt  }
0x72: {  	_ =	shalt  }
0x73: {  	_ =	shalt  }
0x74: {  	_ =	shalt  }
0x75: {  	_ =	shalt  }
0x76: {  	_ =	shalt  }
0x77: {  	_ =	shalt  }
0x78: {  	_ =	shalt  }
0x79: {  	_ =	shalt  }
0x7a: {  	_ =	shalt  }
0x7b: {  	_ =	shalt  }
0x7c: {  	_ =	shalt  }
0x7d: {  	_ =	shalt  }
0x7e: {  	_ =	shalt  }
0x7f: {  	_ =	shalt  }
0x80: {  	_ =	shalt  }
0x81: {  	_ =	shalt  }
0x82: {  	_ =	shalt  }
0x83: {  	_ =	shalt  }
0x84: {  	_ =	shalt  }
0x85: {  	_ =	shalt  }
0x86: {  	_ =	shalt  }
0x87: {  	_ =	shalt  }
.Lfunc_end0:
.L_simem_size_0:
called_computation.1_lowered:
.L_overlay_start_0:
0x88: {  	s2 =	sld [smem:$0x3FD9]  }
0x89: {  	s3 =	sld [smem:$0x3FFE];
	_ =	sdelay $0x1  }
0x8a: {  	s1 =	srdreg.scid  }
0x8b: {  	s0 =	sand.u32 $0x1, s1  }
0x8c: {  	s17 =	sshll.u32 s0, $0xA;
	s2 =	sadd.s32 s3, s2  }
0x8d: {  	s2 =	sadd.s32 s2, s17  }
0x8e: {  	[smem:$0x3FC6] =	sst s2  }
0x8f: {  	_ = 	snop  }
0x90: {  	s2 =	sld [smem:$0x3FD0];
	(tm) =	ssettm $0x1  }
0x91: {  	s18 =	sld [smem:$0x3FFB];
	_ =	sdelay $0x3  }
0x92: {  	_ =	strace s18  }
0x93: {  	s3 =	sld [smem:$0x3FFC];
	_ =	sdelay $0x3  }
0x94: {  	_ =	strace s3  }
0x95: {  	s3 =	sld [smem:$0x3FFD];
	_ =	sdelay $0x3  }
0x96: {  	_ =	strace s3  }
0x97: {  	_ =	strace $0x8FFFFFFF  }
0x98: {  	s19 =	sld [smem:$0x3FDB];
	_ =	sdelay $0x1  }
0x99: {  	s4 =	simm.s32 $_scs_section_size  }
0x9a: {  	s5 =	simm.s32 $_size__tile_overlayer_lowered;
	s6 =	simm.s32 $_tile_overlayer_lowered  }
0x9b: {  	s22 =	simm.s32 $0x1BFF;
	s21 =	sshll.u32 s6, $0x1;
	s3 =	sadd.s32 s4, s19  }
0x9c: {  	s7 =	simm.s32 $0x0;
	s20 =	sshll.u32 s5, $0x1;
	s5 =	sadd.s32 s21, s3  }
0x9d: {  	[timem:s7], [sflag:s22] =	dma.local [hbm:s5], s20  }
0x9e: {  	_ =	swait.ge [sflag:s22], s20  }
0x9f: {  	s4 =	ssub.s32 $0x0, s20;
	[sflag:s22] =	ssyncset.done $0x0  }
0xa0: {  	[sflag:s22] =	ssyncadd.s32 s4;
	_ =	sdelay $0x1  }
0xa1: {  	s23 =	simm.s32 $0x1B8B  }
0xa2: {  	_ =	swait.ge [sflag:s23], $0x1  }
0xa3: {  	[sflag:s23] =	ssyncset.done $0x0  }
0xa4: {  	s25 =	simm.s32 $0x1B8E;
	s24 =	sld [smem:$0x3FFE];
	[sflag:s23] =	ssyncadd.s32 $0xFFFFFFFF  }
0xa5: {  	s26 =	simm.s32 $execute0_lowered;
	[smem:$0x3FD2] =	sst s25  }
0xa6: {  	s5 =	sshll.u32 s26, $0x1;
	_ =	strace $0x80000046;
	[dreg:$0x1] =	wrdreg $0xFFFFFFFF  }
0xa7: {  	s28 =	simm.s32 $_size_execute0_lowered;
	s3 =	sadd.s32 s3, s5;
	[dreg:$0x0] =	wrdreg $0x0  }
0xa8: {  	s5 =	sshll.u32 s28, $0x1;
	[dreg:$0x2] =	wrdreg s3  }
0xa9: {  	[dreg:$0x3] =	wrdreg s5  }
0xaa: {  	[dreg:$0x4] =	wrdreg $0xC0  }
0xab: {  	_ =	task [dreg:s7], $0x5FFFF  }
0xac: {  	[dreg:$0x1] =	wrdreg $0xFFFFFFFF  }
0xad: {  	[dreg:$0x0] =	wrdreg $0x60  }
0xae: {  	[dreg:$0x2] =	wrdreg s24  }
0xaf: {  	[dreg:$0x3] =	wrdreg s2  }
0xb0: {  	[dreg:$0x4] =	wrdreg $0x9  }
0xb1: {  	_ =	task.clear_ibuf [dreg:s7], $0x5FFFF;
	_ =	strace $0x90000046  }
0xb2: {  	s29 =	simm.s32 $0x9;
	_ =	strace $0x80000048  }
0xb3: {  	_ =	swait.ge [sflag:s29], $0x1  }
0xb4: {  	[sflag:s29] =	ssyncadd.s32 $0xFFFFFFFF  }
0xb5: {  	_ =	strace $0x90000048  }
0xb6: {  	_ =	sfence  }
0xb7: {  	s30 =	sld [smem:$0x0];
	_ =	sdelay $0x2  }
0xb8: {  	s31 =	sshll.u32 s1, $0xD;
	s1 =	sshrl.u32 s1, $0x2  }
0xb9: {  	s3 =	sand.u32 $0x4000, s31;
	s1 =	sadd.s32 s1, s30  }
0xba: {  	s0 =	sor.u32 s3, s0;
	s1 =	sshll.u32 s1, $0x11  }
0xbb: {  	s0 =	sor.u32 s1, s0  }
0xbc: {  	s0 =	sadd.s32 $0x8F2B, s0  }
0xbd: {  	[sflag:s0] =	ssyncadd.remote.s32 $0x1  }
0xbe: {  	_ =	sfence.sel $0xFFFF  }
0xbf: {  	[dreg:$0x0] =	wrdreg $0xFFFFFFFF;
	(pc) =	sbr.abs _section_cstart, $3  }
0xc0: {  	[dreg:$0x1] =	wrdreg $0xFFFFFFFF  }
0xc1: {  	_ =	task.clear_ibuf [dreg:s7], $0x2FFFF;
	_ =	strace $0x9FFFFFFF  }
0xc2: {  	(tm) =	ssettm $0x7FFFFFFF  }
0xc3: {  	_ =	shalt  }
tec
execute0_lowered:
.L_overlay_start_1:
0x0: {  	(tag) =	ssettag $0x1  }
0x1: {  	s0 =	srdreg.scid  }
0x2: {  	s12 =	stileid.u32;
	s1 =	rddreg [dreg:$0x0]  }
0x3: {  	s2 =	rddreg [dreg:$0x1];
	s14 =	simm.s32 $0x80;
	s15 =	simm.s32 $0x800  }
0x4: {  	s28 =	simm.s32 $0x700;
	s29 =	simm.s32 $0xC800;
	s9 =	smul.u32 $0xC800, s12  }
0x5: {  	s30 =	simm.s32 $0x780;
	s31 =	simm.s32 $0xE800;
	s22 =	smul.u32 $0x320000, s12  }
0x6: {  	s16 =	simm.s32 $0x280;
	s0 =	sand.u32 $0x1, s0;
	s25 =	smul.u32 $0x64000, s12  }
0x7: {  	s17 =	simm.s32 $0x300;
	s18 =	simm.s32 $0x380;
	s11 =	smul.u32 $0x6400, s0  }
0x8: {  	s19 =	simm.s32 $0x0;
	s3 =	sshll.u32 s12, $0x1;
	s23 =	smul.u32 $0x190000, s0  }
0x9: {  	s4 =	sor.u32 s0, s3;
	s21 =	ssub.s32 $0x2, s0;
	s0 =	smul.u32 $0x32000, s0  }
0xa: {  	s8 =	sadd.s32 $0xA00, s1;
	s5 =	sadd.s32 $0xF42E00, s1;
	s6 =	smul.u32 $0x6400, s4  }
0xb: {  	s12 =	simm.s32 $0x200;
	s3 =	simm.s32 $0x0;
	s7 =	smul.u32 $0xC80, s4  }
0xc: {  	[smem:$0x7FF] =	sst s3;
	s4 =	smul.u32 $0x190000, s4;
	s10 =	sshrl.u32 s21, $0x1  }
0xd: {  	_ =	strace $0x80000047;
	s1 =	ssub.s32 s21, s10;
	s24 =	sadd.s32 s11, s9  }
0xe: {  	s21 =	simm.s32 $0x3;
	s6 =	sshrl.u32 s6, $0x3;
	s7 =	sadd.s32 s8, s7  }
0xf: {  	s1 =	smax.u32 s1, $0x1;
	s6 =	sadd.s32 s8, s6;
	[dreg:$0x3] =	wrdreg s7  }
0x10: {  	[dreg:$0x5] =	wrdreg s1;
	s1 =	sadd.s32 $0x800, s24;
	s7 =	sadd.s32 s25, s2  }
0x11: {  	s24 =	simm.s32 $0x8800;
	s25 =	simm.s32 $0x680;
	s6 =	sadd.s32 $0x80, s6  }
.Ltmp0:
0x12: {  	s1 =	sshrl.u32 s1, $0x3;
	s0 =	sadd.s32 s0, s7;
	(pc) =	sbr.rel .LBB2_1-.Ltmp0, $4  }
0x13: {  	[dreg:$0x4] =	wrdreg s6;
	s6 =	sadd.s32 s23, s22;
	s1 =	sadd.s32 s1, s8  }
0x14: {  	s11 =	sadd.s32 $0x1000, s0;
	s22 =	simm.s32 $0x6;
	s23 =	simm.s32 $0x600  }
0x15: {  	s0 =	simm.s32 $0x5;
	s26 =	sshrl.u32 s6, $0x3;
	[dreg:$0x6] =	wrdreg s1  }
0x16: {  	s1 =	simm.s32 $0x4;
	s10 =	sadd.s32 s26, s2;
	s26 =	simm.s32 $0xA800  }
.LBB2_7:
0x17: {  	_ =	swait.ge [sflag:s22], $0x8000  }
0x18: {  	s19 =	sadd.s32 $0x1, s19;
	s6 =	rddreg [dreg:$0x5]  }
0x19: {  	p0 =	sne.s32 s19, s6  }
.Ltmp1:
0x1a: {  	_ = 	snop;
	(pc) =	sbr.rel @!p0 .LBB2_8-.Ltmp1, $3  }
0x1b: {  	_ =	sdelay $0x1  }
0x1c: {  	[sflag:s22] =	ssyncset.done $0x0  }
0x1d: {  	[sflag:s22] =	ssyncadd.s32 $0xFFFF8000  }
.LBB2_1:
0x1e: {  	s6 =	rddreg [dreg:$0x3]  }
0x1f: {  	[tilespmem:s3], [sflag:$0x1] =	stream.linear.gather [hbm4b:s6+s3], $0x400, $0x38;
	[tilespmem:$0x10800] =	vst v63  }
0x20: {  	s13 =	rddreg [dreg:$0x4];
	s7 =	simm.s32 $0x400;
	s20 =	simm.s32 $0x1  }
0x21: {  	[tilespmem:s7], [sflag:$0x2] =	stream.linear.gather [hbm4b:s13+s3], $0x400, $0x38;
	[tilespmem:$0x10800] =	vst v63  }
0x22: {  	_ =	swait.ge [sflag:s20], $0x400  }
0x23: {  	[sflag:s20] =	ssyncset.done $0x0  }
0x24: {  	[sflag:s20] =	ssyncadd.s32 $0xFFFFFC00  }
0x25: {  	[tilespmem:s15], [sflag:$0x3] =	stream.indirect.gather [hbm4b:s5+s14], $0x40, s3, s14, $0xb8;
	[tilespmem:$0x10800] =	vst v63  }
0x26: {  	s7 =	simm.s32 $0x2800  }
0x27: {  	[tilespmem:s7], [sflag:$0x3] =	stream.indirect.gather [hbm4b:s5+s14], $0x40, s14, s14, $0xb8;
	[tilespmem:$0x10800] =	vst v63  }
.Ltmp2:
0x28: {  	s8 =	simm.s32 $0x100;
	s9 =	simm.s32 $0x4800;
	(pc) =	sbr.rel .LBB2_2-.Ltmp2, $4  }
0x29: {  	[tilespmem:s9], [sflag:$0x3] =	stream.indirect.gather [hbm4b:s5+s14], $0x40, s8, s14, $0xb8;
	[tilespmem:$0x10800] =	vst v63  }
0x2a: {  	s13 =	simm.s32 $0x180;
	s20 =	simm.s32 $0x6800  }
0x2b: {  	[tilespmem:s20], [sflag:$0x3] =	stream.indirect.gather [hbm4b:s5+s14], $0x40, s13, s14, $0xb8;
	[tilespmem:$0x10800] =	vst v63  }
0x2c: {  	s7 =	simm.s32 $0x0;
	s9 =	rddreg [dreg:$0x6];
	s20 =	simm.s32 $0x0  }
.LBB2_5:
0x2d: {  	_ =	swait.ge [sflag:s21], $0x2000  }
0x2e: {  	[sflag:s21] =	ssyncset.done $0x0  }
0x2f: {  	[sflag:s21] =	ssyncadd.s32 $0xFFFFE000  }
0x30: {  	_ =	swait.ge [sflag:s21], $0x2000  }
0x31: {  	[sflag:s21] =	ssyncset.done $0x0  }
0x32: {  	[sflag:s21] =	ssyncadd.s32 $0xFFFFE000  }
0x33: {  	_ =	swait.ge [sflag:s21], $0x2000  }
0x34: {  	[sflag:s21] =	ssyncset.done $0x0  }
0x35: {  	[sflag:s21] =	ssyncadd.s32 $0xFFFFE000  }
0x36: {  	_ =	swait.ge [sflag:s21], $0x2000  }
0x37: {  	[sflag:s21] =	ssyncset.done $0x0  }
0x38: {  	[sflag:s21] =	ssyncadd.s32 $0xFFFFE000  }
0x39: {  	_ =	swait.ge [sflag:s22], $0x8000  }
0x3a: {  	[sflag:s22] =	ssyncset.done $0x0  }
0x3b: {  	[sflag:s22] =	ssyncadd.s32 $0xFFFF8000  }
0x3c: {  	[tilespmem:s24], [sflag:$0x4] =	stream.indirect.gather [hbm4b:s5+s14], $0x40, s23, s14, $0xb8;
	[tilespmem:$0x10800] =	vst v63  }
0x3d: {  	_ = 	snop  }
0x3e: {  	[tilespmem:s26], [sflag:$0x4] =	stream.indirect.gather [hbm4b:s5+s14], $0x40, s25, s14, $0xb8;
	[tilespmem:$0x10800] =	vst v63  }
0x3f: {  	_ = 	snop  }
0x40: {  	[tilespmem:s29], [sflag:$0x4] =	stream.indirect.gather [hbm4b:s5+s14], $0x40, s28, s14, $0xb8;
	[tilespmem:$0x10800] =	vst v63  }
0x41: {  	_ = 	snop  }
0x42: {  	[tilespmem:s31], [sflag:$0x4] =	stream.indirect.gather [hbm4b:s5+s14], $0x40, s30, s14, $0xb8;
	[tilespmem:$0x10800] =	vst v63  }
0x43: {  	_ = 	snop  }
0x44: {  	[hbm4b:s8+s3] =	stream.linear.scatter [tilespmem:s15], [sflag:$0x5], $0x8000, $0x38;
	[tilespmem:$0x10800] =	vst v63  }
0x45: {  	_ =	swait.ge [sflag:s1], $0x2000  }
0x46: {  	[sflag:s1] =	ssyncset.done $0x0  }
0x47: {  	[sflag:s1] =	ssyncadd.s32 $0xFFFFE000  }
0x48: {  	_ =	swait.ge [sflag:s1], $0x2000  }
0x49: {  	[sflag:s1] =	ssyncset.done $0x0  }
0x4a: {  	[sflag:s1] =	ssyncadd.s32 $0xFFFFE000  }
0x4b: {  	_ =	swait.ge [sflag:s1], $0x2000  }
0x4c: {  	[sflag:s1] =	ssyncset.done $0x0  }
0x4d: {  	[sflag:s1] =	ssyncadd.s32 $0xFFFFE000  }
0x4e: {  	_ =	swait.ge [sflag:s1], $0x2000  }
0x4f: {  	p0 =	sgt.u32 s7, $0x16;
	[sflag:s1] =	ssyncset.done $0x0  }
0x50: {  	s6 =	simm.s32 @!p0 $0x0;
	s8 =	simm.s32 @!p0 $0x400;
	[sflag:s1] =	ssyncadd.s32 $0xFFFFE000  }
0x51: {  	[tilespmem:s8], [sflag:$0x2] =	stream.linear.gather @!p0 [hbm4b:s9+s6], $0x400, $0x38;
	[tilespmem:$0x10800] =	vst v63  }
0x52: {  	_ =	swait.ge [sflag:s0], $0x8000  }
0x53: {  	p0 =	seq.s32 s20, $0x30000;
	[sflag:s0] =	ssyncset.done $0x0  }
0x54: {  	s6 =	simm.s32 @!p0 $0x1;
	[sflag:s0] =	ssyncadd.s32 $0xFFFF8000  }
0x55: {  	_ =	swait.ge @!p0 [sflag:s6], $0x400  }
0x56: {  	s8 =	simm.s32 @!p0 $0x0;
	[sflag:s6] =	ssyncset.done @!p0 $0x0  }
0x57: {  	s13 =	simm.s32 @!p0 $0x800;
	[sflag:s6] =	ssyncadd.s32 @!p0 $0xFFFFFC00;
	s6 =	simm.s32 @!p0 $0x80  }
0x58: {  	[tilespmem:s13], [sflag:$0x3] =	stream.indirect.gather @!p0 [hbm4b:s5+s6], $0x40, s8, s6, $0xb8;
	[tilespmem:$0x10800] =	vst v63  }
0x59: {  	s8 =	simm.s32 @!p0 $0x2800  }
0x5a: {  	[tilespmem:s8], [sflag:$0x3] =	stream.indirect.gather @!p0 [hbm4b:s5+s6], $0x40, s6, s6, $0xb8;
	[tilespmem:$0x10800] =	vst v63  }
0x5b: {  	s13 =	simm.s32 @!p0 $0x4800;
	s8 =	simm.s32 @!p0 $0x100  }
0x5c: {  	[tilespmem:s13], [sflag:$0x3] =	stream.indirect.gather @!p0 [hbm4b:s5+s6], $0x40, s8, s6, $0xb8;
	[tilespmem:$0x10800] =	vst v63  }
0x5d: {  	s8 =	simm.s32 @!p0 $0x180;
	s13 =	simm.s32 @!p0 $0x6800  }
0x5e: {  	[tilespmem:s13], [sflag:$0x3] =	stream.indirect.gather @!p0 [hbm4b:s5+s6], $0x40, s8, s6, $0xb8;
	[tilespmem:$0x10800] =	vst v63  }
0x5f: {  	s13 =	sadd.s32 s20, s11  }
0x60: {  	[hbm4b:s13+s3] =	stream.linear.scatter [tilespmem:s24], [sflag:$0x6], $0x8000, $0x38;
	[tilespmem:$0x10800] =	vst v63  }
.LBB2_6:
0x61: {  	s20 =	sadd.s32 $0x2000, s20  }
0x62: {  	p0 =	sne.s32 s20, $0x32000  }
.Ltmp3:
0x63: {  	_ = 	snop;
	(pc) =	sbr.rel @!p0 .LBB2_7-.Ltmp3, $2  }
0x64: {  	_ =	sdelay $0x2  }
0x65: {  	s7 =	sadd.s32 $0x1, s7;
	s9 =	sadd.s32 $0x80, s9  }
.LBB2_2:
0x66: {  	s8 =	sand.u32 $0x1, s7  }
0x67: {  	p0 =	seq.s32 s8, $0x0  }
.Ltmp4:
0x68: {  	_ = 	snop;
	(pc) =	sbr.rel @!p0 .LBB2_5-.Ltmp4, $2  }
0x69: {  	_ =	sdelay $0x2  }
0x6a: {  	s8 =	sadd.s32 s20, s10  }
0x6b: {  	_ =	swait.ge [sflag:s21], $0x2000  }
0x6c: {  	[sflag:s21] =	ssyncset.done $0x0  }
0x6d: {  	[sflag:s21] =	ssyncadd.s32 $0xFFFFE000  }
0x6e: {  	_ =	swait.ge [sflag:s21], $0x2000  }
0x6f: {  	[sflag:s21] =	ssyncset.done $0x0  }
0x70: {  	[sflag:s21] =	ssyncadd.s32 $0xFFFFE000  }
0x71: {  	_ =	swait.ge [sflag:s21], $0x2000  }
0x72: {  	[sflag:s21] =	ssyncset.done $0x0  }
0x73: {  	[sflag:s21] =	ssyncadd.s32 $0xFFFFE000  }
0x74: {  	_ =	swait.ge [sflag:s21], $0x2000  }
0x75: {  	p1 =	seq.s32 s20, $0x0;
	[sflag:s21] =	ssyncset.done $0x0  }
0x76: {  	s6 =	simm.s32 @!p1 $0x6;
	[sflag:s21] =	ssyncadd.s32 $0xFFFFE000  }
0x77: {  	_ =	swait.ge @!p1 [sflag:s6], $0x8000  }
0x78: {  	[sflag:s6] =	ssyncset.done @!p1 $0x0  }
0x79: {  	[sflag:s6] =	ssyncadd.s32 @!p1 $0xFFFF8000  }
0x7a: {  	[tilespmem:s24], [sflag:$0x4] =	stream.indirect.gather [hbm4b:s5+s14], $0x40, s12, s14, $0xb8;
	[tilespmem:$0x10800] =	vst v63  }
0x7b: {  	_ = 	snop  }
0x7c: {  	[tilespmem:s26], [sflag:$0x4] =	stream.indirect.gather [hbm4b:s5+s14], $0x40, s16, s14, $0xb8;
	[tilespmem:$0x10800] =	vst v63  }
0x7d: {  	_ = 	snop  }
0x7e: {  	[tilespmem:s29], [sflag:$0x4] =	stream.indirect.gather [hbm4b:s5+s14], $0x40, s17, s14, $0xb8;
	[tilespmem:$0x10800] =	vst v63  }
0x7f: {  	_ = 	snop  }
0x80: {  	[tilespmem:s31], [sflag:$0x4] =	stream.indirect.gather [hbm4b:s5+s14], $0x40, s18, s14, $0xb8;
	[tilespmem:$0x10800] =	vst v63  }
0x81: {  	_ = 	snop  }
0x82: {  	[hbm4b:s8+s3] =	stream.linear.scatter [tilespmem:s15], [sflag:$0x5], $0x8000, $0x38;
	[tilespmem:$0x10800] =	vst v63  }
0x83: {  	_ =	swait.ge [sflag:s1], $0x2000  }
0x84: {  	[sflag:s1] =	ssyncset.done $0x0  }
0x85: {  	[sflag:s1] =	ssyncadd.s32 $0xFFFFE000  }
0x86: {  	_ =	swait.ge [sflag:s1], $0x2000  }
0x87: {  	[sflag:s1] =	ssyncset.done $0x0  }
0x88: {  	[sflag:s1] =	ssyncadd.s32 $0xFFFFE000  }
0x89: {  	_ =	swait.ge [sflag:s1], $0x2000  }
0x8a: {  	[sflag:s1] =	ssyncset.done $0x0  }
0x8b: {  	[sflag:s1] =	ssyncadd.s32 $0xFFFFE000  }
0x8c: {  	_ =	swait.ge [sflag:s1], $0x2000  }
0x8d: {  	p1 =	sgt.u32 s7, $0x16;
	[sflag:s1] =	ssyncset.done $0x0  }
0x8e: {  	s6 =	simm.s32 @!p1 $0x0;
	[sflag:s1] =	ssyncadd.s32 $0xFFFFE000  }
0x8f: {  	[tilespmem:s6], [sflag:$0x1] =	stream.linear.gather @!p1 [hbm4b:s9+s6], $0x400, $0x38;
	[tilespmem:$0x10800] =	vst v63  }
0x90: {  	_ =	swait.ge [sflag:s0], $0x8000  }
0x91: {  	p1 =	seq.s32 s20, $0x30000;
	[sflag:s0] =	ssyncset.done $0x0  }
0x92: {  	s6 =	simm.s32 @!p1 $0x2;
	[sflag:s0] =	ssyncadd.s32 $0xFFFF8000  }
0x93: {  	_ =	swait.ge @!p1 [sflag:s6], $0x400  }
0x94: {  	s8 =	simm.s32 @!p1 $0x400;
	[sflag:s6] =	ssyncset.done @!p1 $0x0  }
0x95: {  	s13 =	simm.s32 @!p1 $0x800;
	[sflag:s6] =	ssyncadd.s32 @!p1 $0xFFFFFC00;
	s6 =	simm.s32 @!p1 $0x80  }
0x96: {  	[tilespmem:s13], [sflag:$0x3] =	stream.indirect.gather @!p1 [hbm4b:s5+s6], $0x40, s8, s6, $0xb8;
	[tilespmem:$0x10800] =	vst v63  }
0x97: {  	s8 =	simm.s32 @!p1 $0x480;
	s13 =	simm.s32 @!p1 $0x2800  }
0x98: {  	[tilespmem:s13], [sflag:$0x3] =	stream.indirect.gather @!p1 [hbm4b:s5+s6], $0x40, s8, s6, $0xb8;
	[tilespmem:$0x10800] =	vst v63  }
0x99: {  	s8 =	simm.s32 @!p1 $0x500;
	s13 =	simm.s32 @!p1 $0x4800  }
0x9a: {  	[tilespmem:s13], [sflag:$0x3] =	stream.indirect.gather @!p1 [hbm4b:s5+s6], $0x40, s8, s6, $0xb8;
	[tilespmem:$0x10800] =	vst v63  }
.Ltmp5:
0x9b: {  	_ = 	snop;
	(pc) =	sbr.rel @p0 .LBB2_6-.Ltmp5, $4  }
0x9c: {  	s8 =	simm.s32 @!p1 $0x580;
	s13 =	simm.s32 @!p1 $0x6800  }
0x9d: {  	[tilespmem:s13], [sflag:$0x3] =	stream.indirect.gather @!p1 [hbm4b:s5+s6], $0x40, s8, s6, $0xb8;
	[tilespmem:$0x10800] =	vst v63  }
0x9e: {  	s13 =	sadd.s32 s20, s11  }
0x9f: {  	[hbm4b:s13+s3] =	stream.linear.scatter [tilespmem:s24], [sflag:$0x6], $0x8000, $0x38;
	[tilespmem:$0x10800] =	vst v63  }
.Ltmp6:
0xa0: {  	(pc) =	sbr.rel .LBB2_5-.Ltmp6, $4  }
0xa1: {  	s6 =	sshll.u32 s7, $0x10  }
0xa2: {  	s6 =	sadd.s32 s4, s6  }
0xa3: {  	s6 =	sshrl.u32 s6, $0x3  }
0xa4: {  	s8 =	sadd.s32 s2, s6  }
.LBB2_8:
0xa5: {  	_ =	sfence.sel $0x180000  }
0xa6: {  	[bflag:$0x0] =	sbarrier.arrive $0xFFFF  }
0xa7: {  	_ =	strace $0x90000047  }
0xa8: {  	s0 =	stileid.u32;
	[bflag:$0x2] =	sbarrier.arrive $0xFFFF  }
0xa9: {  	p0 =	sne.s32 s0, $0x0;
	s0 =	rddreg [dreg:$0x2]  }
0xaa: {  	s0 =	sadd.s32 @!p0 $0x100000, s0  }
0xab: {  	[sflag:s0] =	ssyncadd.tile.s32 @!p0 $0x1;
	_ =	shalt  }
.Lfunc_end2:
_tile_overlayer_lowered:
.L_overlay_start_2:
0xac: {  	(tag) =	ssettag $0x2  }
0xad: {  	s0 =	rddreg [dreg:$0x0];
	s2 =	stileid.u32  }
0xae: {  	s1 =	rddreg [dreg:$0x1];
	p0 =	sne.s32 s2, $0x0  }
0xaf: {  	s3 =	rddreg [dreg:$0x2];
	[bflag:$0x3] =	sbarrier.arrive $0xFFFF;
	s2 =	simm.s32 @!p0 $0x1C07  }
0xb0: {  	[timem:s3], [sflag:s2] =	dma.local @!p0 [hbm:s0], s1  }
0xb1: {  	s0 =	simm.s32 @!p0 $0x7  }
0xb2: {  	_ =	swait.ge @!p0 [sflag:s0], s1  }
0xb3: {  	s1 =	ssub.s32 @!p0 $0x0, s1;
	[sflag:s0] =	ssyncset.done @!p0 $0x0  }
0xb4: {  	[sflag:s0] =	ssyncadd.s32 @!p0 s1  }
0xb5: {  	[bflag:$0x3] =	sbarrier.arrive $0xFFFF  }
0xb6: {  	_ =	shalt  }

// kernel: sparse-core-data-format-call.cloned.1.call-start
scs
called_computation_lowered:
.L_overlay_start_0:
0x0: {  	s2 =	sld [smem:$0x3FD9]  }
0x1: {  	s3 =	sld [smem:$0x3FFE];
	_ =	sdelay $0x1  }
0x2: {  	s1 =	srdreg.scid  }
0x3: {  	s0 =	sand.u32 $0x1, s1  }
0x4: {  	s18 =	sshll.u32 s0, $0xA;
	s2 =	sadd.s32 s3, s2  }
0x5: {  	s2 =	sadd.s32 s2, s18  }
0x6: {  	[smem:$0x3FC6] =	sst s2  }
0x7: {  	_ = 	snop  }
0x8: {  	s2 =	sld [smem:$0x3FD0];
	(tm) =	ssettm $0x1  }
0x9: {  	s19 =	sld [smem:$0x3FFB];
	_ =	sdelay $0x3  }
0xa: {  	_ =	strace s19  }
0xb: {  	s3 =	sld [smem:$0x3FFC];
	_ =	sdelay $0x3  }
0xc: {  	_ =	strace s3  }
0xd: {  	s3 =	sld [smem:$0x3FFD];
	_ =	sdelay $0x3  }
0xe: {  	_ =	strace s3  }
0xf: {  	_ =	strace $0x8FFFFFFF  }
0x10: {  	s20 =	sld [smem:$0x3FDB];
	_ =	sdelay $0x1  }
0x11: {  	s4 =	simm.s32 $_scs_section_size  }
0x12: {  	s5 =	simm.s32 $_size__tile_overlayer_lowered;
	s6 =	simm.s32 $_tile_overlayer_lowered  }
0x13: {  	s23 =	simm.s32 $0x1BFF;
	s22 =	sshll.u32 s6, $0x1;
	s3 =	sadd.s32 s4, s20  }
0x14: {  	s7 =	simm.s32 $0x0;
	s21 =	sshll.u32 s5, $0x1;
	s5 =	sadd.s32 s22, s3  }
0x15: {  	[timem:s7], [sflag:s23] =	dma.local [hbm:s5], s21  }
0x16: {  	_ =	swait.ge [sflag:s23], s21  }
0x17: {  	s4 =	ssub.s32 $0x0, s21;
	[sflag:s23] =	ssyncset.done $0x0  }
0x18: {  	[sflag:s23] =	ssyncadd.s32 s4;
	_ =	sdelay $0x1  }
0x19: {  	s24 =	simm.s32 $0x1B8B  }
0x1a: {  	_ =	swait.ge [sflag:s24], $0x1  }
0x1b: {  	[sflag:s24] =	ssyncset.done $0x0  }
0x1c: {  	s26 =	simm.s32 $0x1B8E;
	s25 =	sld [smem:$0x3FFE];
	[sflag:s24] =	ssyncadd.s32 $0xFFFFFFFF  }
0x1d: {  	s27 =	simm.s32 $execute0_lowered;
	[smem:$0x3FD2] =	sst s26  }
0x1e: {  	s5 =	sshll.u32 s27, $0x1;
	_ =	strace $0x80000049;
	[dreg:$0x1] =	wrdreg $0xFFFFFFFF  }
0x1f: {  	s28 =	simm.s32 $_size_execute0_lowered;
	s3 =	sadd.s32 s3, s5;
	[dreg:$0x0] =	wrdreg $0x0  }
0x20: {  	s5 =	sshll.u32 s28, $0x1;
	[dreg:$0x2] =	wrdreg s3  }
0x21: {  	[dreg:$0x3] =	wrdreg s5  }
0x22: {  	[dreg:$0x4] =	wrdreg $0xC0  }
0x23: {  	_ =	task [dreg:s7], $0x5FFFF  }
0x24: {  	[dreg:$0x1] =	wrdreg $0xFFFFFFFF  }
0x25: {  	[dreg:$0x0] =	wrdreg $0x60  }
0x26: {  	[dreg:$0x2] =	wrdreg s25  }
0x27: {  	[dreg:$0x3] =	wrdreg s2  }
0x28: {  	[dreg:$0x4] =	wrdreg $0x9  }
0x29: {  	_ =	task.clear_ibuf [dreg:s7], $0x5FFFF;
	_ =	strace $0x90000049  }
0x2a: {  	s29 =	simm.s32 $0x9;
	_ =	strace $0x8000004B  }
0x2b: {  	_ =	swait.ge [sflag:s29], $0x1  }
0x2c: {  	[sflag:s29] =	ssyncadd.s32 $0xFFFFFFFF  }
0x2d: {  	_ =	strace $0x9000004B  }
0x2e: {  	_ =	sfence  }
0x2f: {  	s30 =	sld [smem:$0x0];
	_ =	sdelay $0x2  }
0x30: {  	s31 =	sshll.u32 s1, $0xD;
	s1 =	sshrl.u32 s1, $0x2  }
0x31: {  	s3 =	sand.u32 $0x4000, s31;
	s1 =	sadd.s32 s1, s30  }
0x32: {  	s0 =	sor.u32 s3, s0;
	s1 =	sshll.u32 s1, $0x11  }
0x33: {  	s0 =	sor.u32 s1, s0  }
0x34: {  	s0 =	sadd.s32 $0x8F2B, s0  }
0x35: {  	[sflag:s0] =	ssyncadd.remote.s32 $0x1  }
0x36: {  	_ =	sfence.sel $0xFFFF  }
0x37: {  	[dreg:$0x0] =	wrdreg $0xFFFFFFFF;
	(pc) =	sbr.abs _section_cstart, $3  }
0x38: {  	[dreg:$0x1] =	wrdreg $0xFFFFFFFF  }
0x39: {  	_ =	task.clear_ibuf [dreg:s7], $0x2FFFF;
	_ =	strace $0x9FFFFFFF  }
0x3a: {  	(tm) =	ssettm $0x7FFFFFFF  }
0x3b: {  	_ =	shalt  }
tec
execute0_lowered:
.L_overlay_start_1:
0x0: {  	(tag) =	ssettag $0x1  }
0x1: {  	s0 =	srdreg.scid  }
0x2: {  	s1 =	sshll.u32 s0, $0x4  }
0x3: {  	s0 =	stileid.u32;
	s1 =	sand.u32 $0x10, s1  }
0x4: {  	s1 =	sor.u32 s0, s1  }
0x5: {  	s6 =	rddreg [dreg:$0x0];
	s4 =	simm.s32 $0x1;
	s2 =	sshll.u32 s1, $0x7  }
0x6: {  	s7 =	simm.s32 $0x2;
	s12 =	simm.s32 $0x0;
	s1 =	ssub.s32 $0x4000, s2  }
0x7: {  	s8 =	simm.s32 $0x20000;
	s13 =	simm.s32 $0x0;
	s3 =	sand.u32 $0xF80, s1  }
0x8: {  	s9 =	simm.s32 $0x0;
	s5 =	sshrl.u32 s1, $0xC;
	p0 =	sne.s32 s3, $0x0  }
.Ltmp0:
0x9: {  	s1 =	rddreg [dreg:$0x2];
	s4 =	simm.s32 @!p0 $0x0;
	(pc) =	sbr.rel .LBB1_1-.Ltmp0, $4  }
0xa: {  	s11 =	simm.s32 $0x0;
	s3 =	rddreg [dreg:$0x1];
	s5 =	sadd.s32 s4, s5  }
0xb: {  	_ =	strace $0x8000004A;
	s4 =	simm.s32 $0x1;
	s5 =	smul.u32 $0x32, s5  }
0xc: {  	s6 =	sadd.s32 $0xA00, s6;
	s10 =	smov.u32 s2;
	[sflag:s4] =	ssyncpa.u1 $0x0  }
0xd: {  	p0 =	por $0x0, $0x0;
	[sflag:s7] =	ssyncpa.u1 $0x0;
	s7 =	sor.u32 $0x1, s5  }
.LBB1_4:
0xe: {  	s16 =	sshll.u32 s13, $0x3;
	s17 =	sand.u32 $0x78, s13  }
0xf: {  	s30 =	sand.u32 $0x1F800, s13;
	s12 =	sshll.u32 s12, $0x11;
	s16 =	sand.u32 $0x3C00, s16  }
0x10: {  	[tilespmem:s15+$0x810 ss:$0x81] =	vst.msk $0xffff, v2;
	s31 =	sand.u32 $0x7, s13;
	s16 =	sor.u32 s17, s16;
	s17 =	sadd.s32 s3, s30  }
0x11: {  	[tilespmem:s15+$0x1020 ss:$0x81] =	vst.msk $0xffff, v0;
	s13 =	sshll.u32 s31, $0x12;
	s12 =	sadd.s32 s12, s17;
	s16 =	sshrl.u32 s16, $0x3  }
0x12: {  	[tilespmem:s15+$0x0 ss:$0x81] =	vst.msk $0xffff, v1;
	s13 =	sor.u32 $0x400, s13;
	s12 =	sadd.s32 s16, s12  }
0x13: {  	[hbm4b:s12+s13] =	stream.strided.scatter [tilespmem:s14], [sflag:$0x2], $0x2000, s8, s13, $0x20;
	[tilespmem:$0x8080] =	vst v63  }
.LBB1_5:
0x14: {  	s14 =	sadd.s32 $0x1, s9  }
0x15: {  	s12 =	sadd.s32 $0x1000, s10;
	s16 =	smov.u32 s10;
	p2 =	sgt.s32 s14, $0x31  }
0x16: {  	s16 =	smov.u32 @p2 s12  }
0x17: {  	s14 =	simm.s32 @p2 $0x0;
	p2 =	sgt.s32 s16, $0x3FFF  }
0x18: {  	s16 =	smov.u32 @p2 s2;
	p2 =	sne.s32 s11, s7  }
.Ltmp1:
0x19: {  	p1 =	slt.u32 s11, $0x2;
	(pc) =	sbr.rel @!p2 .LBB1_6-.Ltmp1, $4  }
0x1a: {  	s15 =	simm.s32 @!p1 $0x2  }
0x1b: {  	s13 =	smov.u32 s10;
	p0 =	por !p0, !p0;
	_ =	swait.ge @!p1 [sflag:s15], $0x2000  }
0x1c: {  	s12 =	smov.u32 s9;
	[sflag:s15] =	ssyncset.done @!p1 $0x0;
	s9 =	smov.u32 s14  }
0x1d: {  	s11 =	sadd.s32 $0x1, s11;
	[sflag:s15] =	ssyncadd.s32 @!p1 $0xFFFFE000;
	s10 =	smov.u32 s16  }
.LBB1_1:
0x1e: {  	p1 =	sge.u32 s11, s5  }
0x1f: {  	s14 =	sand.u32 @!p1 $0x1FFFFFF, s9  }
0x20: {  	s15 =	smulhi.u32 @!p1 $0x4924925, s14;
	_ =	sdelay $0x1  }
0x21: {  	s15 =	smul.u32 @!p1 $0x38, s15  }
0x22: {  	s16 =	sxor.u32 @!p1 $0xFFFFFFFF, s11;
	s17 =	smul.u32 @!p1 $0x380, s10  }
0x23: {  	s31 =	sadd.s32 $0xFFFFFFFF, s11;
	s16 =	sshll.u32 @!p1 s16, $0xD;
	s14 =	ssub.s32 @!p1 s14, s15  }
0x24: {  	s15 =	sand.u32 @!p1 $0x2000, s16;
	s16 =	sadd.s32 @!p1 s6, s17;
	s14 =	sshll.u32 @!p1 s14, $0x4  }
0x25: {  	s17 =	simm.s32 @!p1 $0x1C00;
	s14 =	sadd.s32 @!p1 s14, s16;
	s16 =	simm.s32 @!p1 $0x40  }
0x26: {  	[tilespmem:s15], [sflag:$0x1] =	stream.strided.gather @!p1 [hbm4b:s14+s16], $0x2000, s17, s16, $0x38;
	[tilespmem:$0x8080] =	vst v63  }
0x27: {  	p1 =	sge.u32 s31, s5  }
.Ltmp2:
0x28: {  	_ = 	snop;
	(pc) =	sbr.rel @p1 .LBB1_5-.Ltmp2, $1  }
0x29: {  	_ =	sdelay $0x3  }
0x2a: {  	s14 =	simm.s32 $0x1  }
0x2b: {  	_ =	swait.ge [sflag:s4], $0x2000;
	s14 =	simm.s32 @!p0 $0x0  }
0x2c: {  	[sflag:s4] =	ssyncset.done $0x0;
	s15 =	sshll.u32 s14, $0xD  }
0x2d: {  	[sflag:s4] =	ssyncadd.s32 $0xFFFFE000;
	s18 =	sor.u32 $0x20, s15  }
0x2e: {  	s14 =	smul.u32 $0x8100, s14;
	v3 =	vld [tilespmem:s18+$0x10]  }
0x2f: {  	s30 =	sand.u32 $0x1, s11;
	v2 =	vld [tilespmem:s18+$0xFFFFFFF0]  }
0x30: {  	s15 =	smul.u32 $0x8100, s30;
	s14 =	sshrl.u32 s14, $0x2;
	v0 =	vld [tilespmem:s18+$0x0]  }
0x31: {  	v1 =	vld [tilespmem:s18+$0xFFFFFFE0];
	s16 =	sor.u32 $0x4000, s14  }
0x32: {  	s31 =	sshrl.u32 s15, $0x2;
	s15 =	sadd.s32 $0x0, s16  }
0x33: {  	s17 =	simm.s32 $0x4;
	s18 =	sadd.s32 $0x40, s18;
	s14 =	sor.u32 $0x4000, s31;
	[tilespmem:s15+$0x1830 ss:$0x81] =	vst.msk $0xffff, v3  }
.LBB1_3:
0x34: {  	v3 =	vld [tilespmem:s18+$0x10];
	p1 =	sne.s32 s17, $0x1FC;
	[tilespmem:s15+$0x810 ss:$0x81] =	vst.msk $0xffff, v2;
	s19 =	smov.u32 s17;
	s17 =	sadd.s32 $0x4, s17  }
.Ltmp3:
0x35: {  	v2 =	vld [tilespmem:s18+$0xFFFFFFF0];
	[tilespmem:s15+$0x1020 ss:$0x81] =	vst.msk $0xffff, v0;
	(pc) =	sbr.rel @p1 .LBB1_3-.Ltmp3, $4  }
0x36: {  	v0 =	vld [tilespmem:s18+$0x0];
	[tilespmem:s15+$0x0 ss:$0x81] =	vst.msk $0xffff, v1  }
0x37: {  	s15 =	sshra.s32 s19, $0x2;
	v1 =	vld [tilespmem:s18+$0xFFFFFFE0]  }
0x38: {  	s15 =	sadd.s32 s15, s16  }
0x39: {  	s18 =	sadd.s32 $0x40, s18;
	[tilespmem:s15+$0x1830 ss:$0x81] =	vst.msk $0xffff, v3  }
.Ltmp4:
0x3a: {  	_ = 	snop;
	(pc) =	sbr.rel .LBB1_4-.Ltmp4, $1  }
0x3b: {  	_ =	sdelay $0x3  }
.LBB1_6:
0x3c: {  	_ =	sfence.sel $0x180000  }
0x3d: {  	s2 =	simm.s32 $0x1;
	[bflag:$0x0] =	sbarrier.arrive $0xFFFF  }
0x3e: {  	s31 =	simm.s32 $0x2;
	[sflag:s2] =	ssyncpa.u1 $0x1  }
0x3f: {  	[sflag:s31] =	ssyncpa.u1 $0x1  }
0x40: {  	p0 =	sne.s32 s0, $0x0;
	_ =	strace $0x9000004A  }
0x41: {  	s0 =	sadd.s32 @!p0 $0x100000, s1;
	[bflag:$0x2] =	sbarrier.arrive $0xFFFF  }
0x42: {  	[sflag:s0] =	ssyncadd.tile.s32 @!p0 $0x1;
	_ =	shalt  }
.Lfunc_end1:
_tile_overlayer_lowered:
.L_overlay_start_2:
0x43: {  	(tag) =	ssettag $0x2  }
0x44: {  	s0 =	rddreg [dreg:$0x0];
	s2 =	stileid.u32  }
0x45: {  	s1 =	rddreg [dreg:$0x1];
	p0 =	sne.s32 s2, $0x0  }
0x46: {  	s3 =	rddreg [dreg:$0x2];
	[bflag:$0x3] =	sbarrier.arrive $0xFFFF;
	s2 =	simm.s32 @!p0 $0x1C01  }
0x47: {  	[timem:s3], [sflag:s2] =	dma.local @!p0 [hbm:s0], s1  }
0x48: {  	s0 =	simm.s32 @!p0 $0x1  }
0x49: {  	_ =	swait.ge @!p0 [sflag:s0], s1  }
0x4a: {  	s1 =	ssub.s32 @!p0 $0x0, s1;
	[sflag:s0] =	ssyncset.done @!p0 $0x0  }
0x4b: {  	[sflag:s0] =	ssyncadd.s32 @!p0 s1  }
0x4c: {  	[bflag:$0x3] =	sbarrier.arrive $0xFFFF  }
0x4d: {  	_ =	shalt  }

</sc_bundles>
